<compile_context>
chip_gen: v7x
topology: tpu7x:2x2x1
jax: 0.10.2.dev20260603
libtpu: 0.0.44.dev20260713+nightly
codegen_flags: <defaults>
</compile_context>

<pallas_src>
import functools

import jax
import jax.numpy as jnp
from jax import lax
from jax.experimental import pallas as pl
from jax.experimental.pallas import tpu as pltpu
from jax.experimental.pallas import tpu_sc as plsc

M = 1_000_000
B = 262_144
NC = 2
NS = 16
NW = NC * NS
E = 3 * M
IDXC = 128
NCHUNK = B // IDXC
C_PER_S = NCHUNK // NS
RCH = 9_600
NRCH = (M + RCH - 1) // RCH


def _mesh():
    return plsc.VectorSubcoreMesh(core_axis_name="c", subcore_axis_name="s")


_PARAMS = pltpu.CompilerParams(
    use_tc_tiling_on_sc=False, needs_layout_passes=False
)


def _make_mask_kernel():
    @functools.partial(
        pl.kernel,
        mesh=_mesh(),
        out_type=jax.ShapeDtypeStruct((E,), jnp.float32),
        scratch_types=[
            pltpu.VMEM_SHARED((M,), jnp.float32),
            pltpu.VMEM((C_PER_S, IDXC), jnp.int32),
            pltpu.VMEM((IDXC,), jnp.float32),
            pltpu.VMEM((RCH,), jnp.float32),
            pltpu.VMEM((RCH,), jnp.float32),
            pltpu.VMEM((3 * RCH,), jnp.float32),
            pltpu.SemaphoreType.DMA,
        ],
        compiler_params=_PARAMS,
    )
    def mask_kernel(idx_hbm, zc_hbm, ones_hbm, out_hbm,
                    flags_sh, idx_v, ones_v, zb, fl_v, ob_v, zsem):
        sub = lax.axis_index("s")
        wid = sub * NC + lax.axis_index("c")
        pltpu.sync_copy(zc_hbm, zb)
        pltpu.sync_copy(ones_hbm, ones_v)
        pltpu.sync_copy(idx_hbm.at[pl.ds(sub * C_PER_S, C_PER_S)], idx_v)

        nz = (NRCH - sub + NS - 1) // NS

        def zstart(i, _):
            chunk = sub + i * NS
            r0 = jnp.where(chunk == NRCH - 1, M - RCH, chunk * RCH)
            pltpu.async_copy(zb, flags_sh.at[pl.ds(r0, RCH)], zsem)
            return ()

        def zdrain(i, _):
            chunk = sub + i * NS
            r0 = jnp.where(chunk == NRCH - 1, M - RCH, chunk * RCH)
            pltpu.make_async_copy(zb, flags_sh.at[pl.ds(r0, RCH)], zsem).wait()
            return ()

        lax.fori_loop(0, nz, zstart, ())
        lax.fori_loop(0, nz, zdrain, ())
        plsc.subcore_barrier()

        def sstart(j, _):
            pltpu.async_copy(ones_v, flags_sh.at[idx_v.at[j]], zsem, add=True)
            return ()

        def sdrain(j, _):
            pltpu.make_async_copy(
                ones_v, flags_sh.at[idx_v.at[j]], zsem
            ).wait()
            return ()

        lax.fori_loop(0, C_PER_S, sstart, ())
        lax.fori_loop(0, C_PER_S, sdrain, ())
        plsc.subcore_barrier()

        tri = 3 * lax.iota(jnp.int32, 16)
        ne = (NRCH - wid + NW - 1) // NW

        def echunk(i, _):
            chunk = wid + i * NW
            r0 = jnp.where(chunk == NRCH - 1, M - RCH, chunk * RCH)
            pltpu.sync_copy(flags_sh.at[pl.ds(r0, RCH)], fl_v)

            def evec(j, _):
                for k2 in range(8):
                    k = j * 8 + k2
                    f = fl_v[pl.ds(k * 16, 16)]
                    fc = jnp.minimum(f, 1.0)
                    base = 48 * k
                    plsc.store_scatter(ob_v, [tri + base], fc)
                    plsc.store_scatter(ob_v, [tri + (base + 1)], fc)
                    plsc.store_scatter(ob_v, [tri + (base + 2)], fc)
                return ()

            lax.fori_loop(0, RCH // 128, evec, ())
            pltpu.sync_copy(ob_v, out_hbm.at[pl.ds(3 * r0, 3 * RCH)])
            return ()

        lax.fori_loop(0, ne, echunk, ())

    return mask_kernel


def kernel(vertices, mask):
    del vertices
    idx = mask.astype(jnp.int32).reshape(NCHUNK, IDXC)
    zconst = jnp.zeros((RCH,), jnp.float32)
    ones = jnp.ones((IDXC,), jnp.float32)
    out = _make_mask_kernel()(idx, zconst, ones)
    return out.reshape(1, M, 3)

# --- scband reference (transcript-rebuilt; emitter-appended) ---
"""Pipeline reference for scband-masking-46179488366684 (READ-ONLY COPY).

The authoritative reference and input builder live on the scoring server;
editing this copy changes nothing except your own understanding.
"""

import jax, jax.numpy as jnp
import numpy as np

M = 1000000
D = 3
B = 262144

def setup_inputs(seed: int = 0) -> dict:
    key = jax.random.key(seed)
    k1, k2 = jax.random.split(key)
    vertices = jax.random.normal(k1, (M, D), dtype=jnp.float32)
    mask = jax.random.randint(k2, (B,), 0, M, dtype=jnp.int64)
    return {"vertices": vertices, "mask": mask}

def reference(vertices, mask):
    # Faithful translation of Masking.to_render_mask:
    #   face_mask = torch.zeros_like(self.vertices)[None]
    #   face_mask[:, mask, :] = 1.0
    face_mask = jnp.zeros_like(vertices)[None]
    face_mask = face_mask.at[:, mask, :].set(1.0)
    return face_mask

if __name__ == "__main__":
    import jax
    _d = setup_inputs()
    print(jax.jit(kernel)(*tuple(_d.values())))

</pallas_src>

<mosaic_0001>
#map = affine_map<(d0, d1) -> (0, 0)>
#map1 = affine_map<(d0, d1) -> (0)>
module attributes {stable_mosaic.version = 14 : i64} {
  func.func @mask_kernel(%arg0: i32, %arg1: i32, %arg2: memref<2048x128xi32, #tpu.memory_space<hbm>>, %arg3: memref<9600xf32, #tpu.memory_space<hbm>>, %arg4: memref<128xf32, #tpu.memory_space<hbm>>, %arg5: memref<3000000xf32, #tpu.memory_space<hbm>>, %arg6: memref<1000000xf32, #tpu.memory_space<vmem_shared>>, %arg7: memref<128x128xi32, #tpu.memory_space<vmem>>, %arg8: memref<128xf32, #tpu.memory_space<vmem>>, %arg9: memref<9600xf32, #tpu.memory_space<vmem>>, %arg10: memref<9600xf32, #tpu.memory_space<vmem>>, %arg11: memref<28800xf32, #tpu.memory_space<vmem>>, %arg12: memref<!tpu.dma_semaphore, #tpu.memory_space<semaphore_mem>>) attributes {dimension_semantics = [#tpu.dimension_semantics<core_parallel>, #tpu.dimension_semantics<subcore_parallel>], iteration_bounds = array<i64: 2, 16>, scalar_prefetch = 0 : i64, scratch_operands = 7 : i64, tpu.core_type = #tpu.core_type<sc_vector_subcore>, window_params = [{transform_indices = #map}, {transform_indices = #map1}, {transform_indices = #map1}, {transform_indices = #map1}]} {
    %mul3A = arith.constant 2 : i32
    %mul3A_0 = arith.muli %arg1, %mul3A : i32
    %add3A = arith.addi %mul3A_0, %arg0 : i32
    "tpu.region"() ({
      %run_scoped3A = tpu.sem_alloc : memref<!tpu.dma_semaphore, #tpu.memory_space<semaphore_mem>>
      tpu.enqueue_dma source(%arg3 : memref<9600xf32, #tpu.memory_space<hbm>>) target(%arg9 : memref<9600xf32, #tpu.memory_space<vmem>>) target_semaphore(%run_scoped3A : memref<!tpu.dma_semaphore, #tpu.memory_space<semaphore_mem>>)
      tpu.wait_dma2 semaphore(%run_scoped3A : memref<!tpu.dma_semaphore, #tpu.memory_space<semaphore_mem>>) src(%arg3 : memref<9600xf32, #tpu.memory_space<hbm>>) dst(%arg9 : memref<9600xf32, #tpu.memory_space<vmem>>)
      tpu.yield
    }) : () -> ()
    "tpu.region"() ({
      %run_scoped3A = tpu.sem_alloc : memref<!tpu.dma_semaphore, #tpu.memory_space<semaphore_mem>>
      tpu.enqueue_dma source(%arg4 : memref<128xf32, #tpu.memory_space<hbm>>) target(%arg8 : memref<128xf32, #tpu.memory_space<vmem>>) target_semaphore(%run_scoped3A : memref<!tpu.dma_semaphore, #tpu.memory_space<semaphore_mem>>)
      tpu.wait_dma2 semaphore(%run_scoped3A : memref<!tpu.dma_semaphore, #tpu.memory_space<semaphore_mem>>) src(%arg4 : memref<128xf32, #tpu.memory_space<hbm>>) dst(%arg8 : memref<128xf32, #tpu.memory_space<vmem>>)
      tpu.yield
    }) : () -> ()
    %mul3A_1 = arith.constant 128 : i32
    %mul3A_2 = arith.muli %arg1, %mul3A_1 : i32
    "tpu.region"() ({
      %run_scoped3A = tpu.sem_alloc : memref<!tpu.dma_semaphore, #tpu.memory_space<semaphore_mem>>
      %dma_start3A = arith.constant 0 : i32
      %dma_start3A_94 = tpu.memref_slice %arg2[%mul3A_2, %dma_start3A] : memref<2048x128xi32, #tpu.memory_space<hbm>> -> memref<128x128xi32, #tpu.memory_space<hbm>>
      %dma_start3A_95 = arith.constant 0 : i32
      %dma_start3A_96 = tpu.memref_slice %arg2[%mul3A_2, %dma_start3A_95] : memref<2048x128xi32, #tpu.memory_space<hbm>> -> memref<128x128xi32, #tpu.memory_space<hbm>>
      tpu.enqueue_dma source(%dma_start3A_96 : memref<128x128xi32, #tpu.memory_space<hbm>>) target(%arg7 : memref<128x128xi32, #tpu.memory_space<vmem>>) target_semaphore(%run_scoped3A : memref<!tpu.dma_semaphore, #tpu.memory_space<semaphore_mem>>)
      %dma_wait3A = arith.constant 0 : i32
      %dma_wait3A_97 = tpu.memref_slice %arg2[%mul3A_2, %dma_wait3A] : memref<2048x128xi32, #tpu.memory_space<hbm>> -> memref<128x128xi32, #tpu.memory_space<hbm>>
      %dma_wait3A_98 = arith.constant 0 : i32
      %dma_wait3A_99 = tpu.memref_slice %arg2[%mul3A_2, %dma_wait3A_98] : memref<2048x128xi32, #tpu.memory_space<hbm>> -> memref<128x128xi32, #tpu.memory_space<hbm>>
      tpu.wait_dma2 semaphore(%run_scoped3A : memref<!tpu.dma_semaphore, #tpu.memory_space<semaphore_mem>>) src(%dma_wait3A_99 : memref<128x128xi32, #tpu.memory_space<hbm>>) dst(%arg7 : memref<128x128xi32, #tpu.memory_space<vmem>>)
      tpu.yield
    }) : () -> ()
    %sub3A = arith.constant 105 : i32
    %sub3A_3 = arith.subi %sub3A, %arg1 : i32
    %add3A_4 = arith.constant 16 : i32
    %add3A_5 = arith.addi %sub3A_3, %add3A_4 : i32
    %sub3A_6 = arith.constant 1 : i32
    %sub3A_7 = arith.subi %add3A_5, %sub3A_6 : i32
    %jit3A = arith.constant 16 : i32
    %div3A = arith.divsi %sub3A_7, %jit3A : i32
    %sign3A = arith.constant 0 : i32
    %sign3A_8 = arith.cmpi sgt, %sub3A_7, %sign3A : i32
    %sign3A_9 = arith.extui %sign3A_8 : i1 to i32
    %sign3A_10 = arith.constant 0 : i32
    %sign3A_11 = arith.cmpi slt, %sub3A_7, %sign3A_10 : i32
    %sign3A_12 = arith.extui %sign3A_11 : i1 to i32
    %sign3A_13 = arith.subi %sign3A_9, %sign3A_12 : i32
    %sign3A_14 = arith.constant 0 : i32
    %sign3A_15 = arith.cmpi sgt, %jit3A, %sign3A_14 : i32
    %sign3A_16 = arith.extui %sign3A_15 : i1 to i32
    %sign3A_17 = arith.constant 0 : i32
    %sign3A_18 = arith.cmpi slt, %jit3A, %sign3A_17 : i32
    %sign3A_19 = arith.extui %sign3A_18 : i1 to i32
    %sign3A_20 = arith.subi %sign3A_16, %sign3A_19 : i32
    %ne3A = arith.cmpi ne, %sign3A_13, %sign3A_20 : i32
    %rem3A = arith.remsi %sub3A_7, %jit3A : i32
    %ne3A_21 = arith.constant 0 : i32
    %ne3A_22 = arith.cmpi ne, %rem3A, %ne3A_21 : i32
    %and3A = arith.andi %ne3A, %ne3A_22 : i1
    %sub3A_23 = arith.constant 1 : i32
    %sub3A_24 = arith.subi %div3A, %sub3A_23 : i32
    %select_n3A = arith.select %and3A, %sub3A_24, %div3A : i32
    %while3A = arith.constant 0 : i32
    %while3A_25 = arith.subi %select_n3A, %while3A : i32
    %while3A_26 = arith.addi %while3A, %while3A_25 : i32
    %while3A_27 = arith.constant 1 : i32
    %while3A_28 = arith.divsi %while3A_25, %while3A_27 : i32
    %while3A_29 = arith.muli %while3A_28, %while3A_27 : i32
    %while3A_30 = arith.addi %while3A, %while3A_29 : i32
    %while3A_31 = arith.constant 1 : i32
    scf.for %while3A_94 = %while3A to %while3A_30 step %while3A_31  : i32 {
      %mul3A_95 = arith.constant 16 : i32
      %mul3A_96 = arith.muli %while3A_94, %mul3A_95 : i32
      %add3A_97 = arith.addi %arg1, %mul3A_96 : i32
      %eq3A = arith.constant 104 : i32
      %eq3A_98 = arith.cmpi eq, %add3A_97, %eq3A : i32
      %mul3A_99 = arith.constant 9600 : i32
      %mul3A_100 = arith.muli %add3A_97, %mul3A_99 : i32
      %jit3A_101 = arith.constant 990400 : i32
      %select_n3A_102 = arith.select %eq3A_98, %jit3A_101, %mul3A_100 : i32
      %dma_start3A = tpu.memref_slice %arg6[%select_n3A_102] : memref<1000000xf32, #tpu.memory_space<vmem_shared>> -> memref<9600xf32, #tpu.memory_space<vmem_shared>>
      %dma_start3A_103 = tpu.memref_slice %arg6[%select_n3A_102] : memref<1000000xf32, #tpu.memory_space<vmem_shared>> -> memref<9600xf32, #tpu.memory_space<vmem_shared>>
      tpu.enqueue_dma source(%arg9 : memref<9600xf32, #tpu.memory_space<vmem>>) target(%dma_start3A_103 : memref<9600xf32, #tpu.memory_space<vmem_shared>>) target_semaphore(%arg12 : memref<!tpu.dma_semaphore, #tpu.memory_space<semaphore_mem>>)
    }
    %while3A_32 = arith.constant 1 : i32
    scf.for %while3A_94 = %while3A_30 to %while3A_26 step %while3A_32  : i32 {
      %mul3A_95 = arith.constant 16 : i32
      %mul3A_96 = arith.muli %while3A_94, %mul3A_95 : i32
      %add3A_97 = arith.addi %arg1, %mul3A_96 : i32
      %eq3A = arith.constant 104 : i32
      %eq3A_98 = arith.cmpi eq, %add3A_97, %eq3A : i32
      %mul3A_99 = arith.constant 9600 : i32
      %mul3A_100 = arith.muli %add3A_97, %mul3A_99 : i32
      %jit3A_101 = arith.constant 990400 : i32
      %select_n3A_102 = arith.select %eq3A_98, %jit3A_101, %mul3A_100 : i32
      %dma_start3A = tpu.memref_slice %arg6[%select_n3A_102] : memref<1000000xf32, #tpu.memory_space<vmem_shared>> -> memref<9600xf32, #tpu.memory_space<vmem_shared>>
      %dma_start3A_103 = tpu.memref_slice %arg6[%select_n3A_102] : memref<1000000xf32, #tpu.memory_space<vmem_shared>> -> memref<9600xf32, #tpu.memory_space<vmem_shared>>
      tpu.enqueue_dma source(%arg9 : memref<9600xf32, #tpu.memory_space<vmem>>) target(%dma_start3A_103 : memref<9600xf32, #tpu.memory_space<vmem_shared>>) target_semaphore(%arg12 : memref<!tpu.dma_semaphore, #tpu.memory_space<semaphore_mem>>)
    }
    %while3A_33 = arith.constant 0 : i32
    %while3A_34 = arith.subi %select_n3A, %while3A_33 : i32
    %while3A_35 = arith.addi %while3A_33, %while3A_34 : i32
    %while3A_36 = arith.constant 1 : i32
    %while3A_37 = arith.divsi %while3A_34, %while3A_36 : i32
    %while3A_38 = arith.muli %while3A_37, %while3A_36 : i32
    %while3A_39 = arith.addi %while3A_33, %while3A_38 : i32
    %while3A_40 = arith.constant 1 : i32
    scf.for %while3A_94 = %while3A_33 to %while3A_39 step %while3A_40  : i32 {
      %mul3A_95 = arith.constant 16 : i32
      %mul3A_96 = arith.muli %while3A_94, %mul3A_95 : i32
      %add3A_97 = arith.addi %arg1, %mul3A_96 : i32
      %eq3A = arith.constant 104 : i32
      %eq3A_98 = arith.cmpi eq, %add3A_97, %eq3A : i32
      %mul3A_99 = arith.constant 9600 : i32
      %mul3A_100 = arith.muli %add3A_97, %mul3A_99 : i32
      %jit3A_101 = arith.constant 990400 : i32
      %select_n3A_102 = arith.select %eq3A_98, %jit3A_101, %mul3A_100 : i32
      %dma_wait3A = tpu.memref_slice %arg6[%select_n3A_102] : memref<1000000xf32, #tpu.memory_space<vmem_shared>> -> memref<9600xf32, #tpu.memory_space<vmem_shared>>
      %dma_wait3A_103 = tpu.memref_slice %arg6[%select_n3A_102] : memref<1000000xf32, #tpu.memory_space<vmem_shared>> -> memref<9600xf32, #tpu.memory_space<vmem_shared>>
      tpu.wait_dma2 semaphore(%arg12 : memref<!tpu.dma_semaphore, #tpu.memory_space<semaphore_mem>>) src(%arg9 : memref<9600xf32, #tpu.memory_space<vmem>>) dst(%dma_wait3A_103 : memref<9600xf32, #tpu.memory_space<vmem_shared>>)
    }
    %while3A_41 = arith.constant 1 : i32
    scf.for %while3A_94 = %while3A_39 to %while3A_35 step %while3A_41  : i32 {
      %mul3A_95 = arith.constant 16 : i32
      %mul3A_96 = arith.muli %while3A_94, %mul3A_95 : i32
      %add3A_97 = arith.addi %arg1, %mul3A_96 : i32
      %eq3A = arith.constant 104 : i32
      %eq3A_98 = arith.cmpi eq, %add3A_97, %eq3A : i32
      %mul3A_99 = arith.constant 9600 : i32
      %mul3A_100 = arith.muli %add3A_97, %mul3A_99 : i32
      %jit3A_101 = arith.constant 990400 : i32
      %select_n3A_102 = arith.select %eq3A_98, %jit3A_101, %mul3A_100 : i32
      %dma_wait3A = tpu.memref_slice %arg6[%select_n3A_102] : memref<1000000xf32, #tpu.memory_space<vmem_shared>> -> memref<9600xf32, #tpu.memory_space<vmem_shared>>
      %dma_wait3A_103 = tpu.memref_slice %arg6[%select_n3A_102] : memref<1000000xf32, #tpu.memory_space<vmem_shared>> -> memref<9600xf32, #tpu.memory_space<vmem_shared>>
      tpu.wait_dma2 semaphore(%arg12 : memref<!tpu.dma_semaphore, #tpu.memory_space<semaphore_mem>>) src(%arg9 : memref<9600xf32, #tpu.memory_space<vmem>>) dst(%dma_wait3A_103 : memref<9600xf32, #tpu.memory_space<vmem_shared>>)
    }
    %barrier3A = arith.constant 0 : index
    tpu.barrier barrier_id(%barrier3A)
    %scan3A = arith.constant 0 : i32
    %scan3A_42 = arith.constant 128 : i32
    %scan3A_43 = arith.addi %scan3A, %scan3A_42 : i32
    %scan3A_44 = arith.constant 1 : i32
    scf.for %scan3A_94 = %scan3A to %scan3A_43 step %scan3A_44  : i32 {
      %dma_start3A = arith.constant 0 : i32
      %dma_start3A_95 = tpu.memref_slice %arg7[%scan3A_94, %dma_start3A] : memref<128x128xi32, #tpu.memory_space<vmem>> -> memref<1x128xi32, #tpu.memory_space<vmem>>
      %dma_start3A_96 = tpu.memref_squeeze %dma_start3A_95 : memref<1x128xi32, #tpu.memory_space<vmem>> -> memref<128xi32, #tpu.memory_space<vmem>>
      %dma_start3A_97 = arith.constant 0 : i32
      %dma_start3A_98 = tpu.memref_slice %arg6[%dma_start3A_97] : memref<1000000xf32, #tpu.memory_space<vmem_shared>> -> memref<1000000xf32, #tpu.memory_space<vmem_shared>>
      tpu.enqueue_indirect_dma source(%arg8 : memref<128xf32, #tpu.memory_space<vmem>>) target(%dma_start3A_98 : memref<1000000xf32, #tpu.memory_space<vmem_shared>>) offsets(%dma_start3A_96 : memref<128xi32, #tpu.memory_space<vmem>>) semaphore(%arg12 : memref<!tpu.dma_semaphore, #tpu.memory_space<semaphore_mem>>) {add = true}
    }
    %scan3A_45 = arith.constant 128 : i32
    %scan3A_46 = arith.constant 0 : i32
    %scan3A_47 = arith.constant 128 : i32
    %scan3A_48 = arith.addi %scan3A_46, %scan3A_47 : i32
    %scan3A_49 = arith.constant 1 : i32
    scf.for %scan3A_94 = %scan3A_46 to %scan3A_48 step %scan3A_49  : i32 {
      %dma_wait3A = arith.constant 0 : i32
      %dma_wait3A_95 = tpu.memref_slice %arg7[%scan3A_94, %dma_wait3A] : memref<128x128xi32, #tpu.memory_space<vmem>> -> memref<1x128xi32, #tpu.memory_space<vmem>>
      %dma_wait3A_96 = tpu.memref_squeeze %dma_wait3A_95 : memref<1x128xi32, #tpu.memory_space<vmem>> -> memref<128xi32, #tpu.memory_space<vmem>>
      %dma_wait3A_97 = arith.constant 0 : i32
      %dma_wait3A_98 = tpu.memref_slice %arg6[%dma_wait3A_97] : memref<1000000xf32, #tpu.memory_space<vmem_shared>> -> memref<1000000xf32, #tpu.memory_space<vmem_shared>>
      tpu.wait_indirect_dma semaphore(%arg12 : memref<!tpu.dma_semaphore, #tpu.memory_space<semaphore_mem>>) src(%arg8 : memref<128xf32, #tpu.memory_space<vmem>>) dst(%dma_wait3A_98 : memref<1000000xf32, #tpu.memory_space<vmem_shared>>)
    }
    %scan3A_50 = arith.constant 128 : i32
    %barrier3A_51 = arith.constant 0 : index
    tpu.barrier barrier_id(%barrier3A_51)
    %iota3A = tpu.iota {dimensions = array<i32: 0>} : vector<16xi32>
    %mul3A_52 = arith.constant 3 : i32
    %mul3A_53 = vector.broadcast %mul3A_52 : i32 to vector<16xi32>
    %mul3A_54 = arith.muli %mul3A_53, %iota3A : vector<16xi32>
    %sub3A_55 = arith.constant 105 : i32
    %sub3A_56 = arith.subi %sub3A_55, %add3A : i32
    %add3A_57 = arith.constant 32 : i32
    %add3A_58 = arith.addi %sub3A_56, %add3A_57 : i32
    %sub3A_59 = arith.constant 1 : i32
    %sub3A_60 = arith.subi %add3A_58, %sub3A_59 : i32
    %jit3A_61 = arith.constant 32 : i32
    %div3A_62 = arith.divsi %sub3A_60, %jit3A_61 : i32
    %sign3A_63 = arith.constant 0 : i32
    %sign3A_64 = arith.cmpi sgt, %sub3A_60, %sign3A_63 : i32
    %sign3A_65 = arith.extui %sign3A_64 : i1 to i32
    %sign3A_66 = arith.constant 0 : i32
    %sign3A_67 = arith.cmpi slt, %sub3A_60, %sign3A_66 : i32
    %sign3A_68 = arith.extui %sign3A_67 : i1 to i32
    %sign3A_69 = arith.subi %sign3A_65, %sign3A_68 : i32
    %sign3A_70 = arith.constant 0 : i32
    %sign3A_71 = arith.cmpi sgt, %jit3A_61, %sign3A_70 : i32
    %sign3A_72 = arith.extui %sign3A_71 : i1 to i32
    %sign3A_73 = arith.constant 0 : i32
    %sign3A_74 = arith.cmpi slt, %jit3A_61, %sign3A_73 : i32
    %sign3A_75 = arith.extui %sign3A_74 : i1 to i32
    %sign3A_76 = arith.subi %sign3A_72, %sign3A_75 : i32
    %ne3A_77 = arith.cmpi ne, %sign3A_69, %sign3A_76 : i32
    %rem3A_78 = arith.remsi %sub3A_60, %jit3A_61 : i32
    %ne3A_79 = arith.constant 0 : i32
    %ne3A_80 = arith.cmpi ne, %rem3A_78, %ne3A_79 : i32
    %and3A_81 = arith.andi %ne3A_77, %ne3A_80 : i1
    %sub3A_82 = arith.constant 1 : i32
    %sub3A_83 = arith.subi %div3A_62, %sub3A_82 : i32
    %select_n3A_84 = arith.select %and3A_81, %sub3A_83, %div3A_62 : i32
    %while3A_85 = arith.constant 0 : i32
    %while3A_86 = arith.subi %select_n3A_84, %while3A_85 : i32
    %while3A_87 = arith.addi %while3A_85, %while3A_86 : i32
    %while3A_88 = arith.constant 1 : i32
    %while3A_89 = arith.divsi %while3A_86, %while3A_88 : i32
    %while3A_90 = arith.muli %while3A_89, %while3A_88 : i32
    %while3A_91 = arith.addi %while3A_85, %while3A_90 : i32
    %while3A_92 = arith.constant 1 : i32
    scf.for %while3A_94 = %while3A_85 to %while3A_91 step %while3A_92  : i32 {
      %mul3A_95 = arith.constant 32 : i32
      %mul3A_96 = arith.muli %while3A_94, %mul3A_95 : i32
      %add3A_97 = arith.addi %add3A, %mul3A_96 : i32
      %eq3A = arith.constant 104 : i32
      %eq3A_98 = arith.cmpi eq, %add3A_97, %eq3A : i32
      %mul3A_99 = arith.constant 9600 : i32
      %mul3A_100 = arith.muli %add3A_97, %mul3A_99 : i32
      %jit3A_101 = arith.constant 990400 : i32
      %select_n3A_102 = arith.select %eq3A_98, %jit3A_101, %mul3A_100 : i32
      "tpu.region"() ({
        %run_scoped3A = tpu.sem_alloc : memref<!tpu.dma_semaphore, #tpu.memory_space<semaphore_mem>>
        %dma_start3A = tpu.memref_slice %arg6[%select_n3A_102] : memref<1000000xf32, #tpu.memory_space<vmem_shared>> -> memref<9600xf32, #tpu.memory_space<vmem_shared>>
        %dma_start3A_110 = tpu.memref_slice %arg6[%select_n3A_102] : memref<1000000xf32, #tpu.memory_space<vmem_shared>> -> memref<9600xf32, #tpu.memory_space<vmem_shared>>
        tpu.enqueue_dma source(%dma_start3A_110 : memref<9600xf32, #tpu.memory_space<vmem_shared>>) target(%arg10 : memref<9600xf32, #tpu.memory_space<vmem>>) target_semaphore(%run_scoped3A : memref<!tpu.dma_semaphore, #tpu.memory_space<semaphore_mem>>)
        %dma_wait3A = tpu.memref_slice %arg6[%select_n3A_102] : memref<1000000xf32, #tpu.memory_space<vmem_shared>> -> memref<9600xf32, #tpu.memory_space<vmem_shared>>
        %dma_wait3A_111 = tpu.memref_slice %arg6[%select_n3A_102] : memref<1000000xf32, #tpu.memory_space<vmem_shared>> -> memref<9600xf32, #tpu.memory_space<vmem_shared>>
        tpu.wait_dma2 semaphore(%run_scoped3A : memref<!tpu.dma_semaphore, #tpu.memory_space<semaphore_mem>>) src(%dma_wait3A_111 : memref<9600xf32, #tpu.memory_space<vmem_shared>>) dst(%arg10 : memref<9600xf32, #tpu.memory_space<vmem>>)
        tpu.yield
      }) : () -> ()
      %scan3A_103 = arith.constant 0 : i32
      %scan3A_104 = arith.constant 75 : i32
      %scan3A_105 = arith.addi %scan3A_103, %scan3A_104 : i32
      %scan3A_106 = arith.constant 1 : i32
      scf.for %scan3A_110 = %scan3A_103 to %scan3A_105 step %scan3A_106  : i32 {
        %mul3A_111 = arith.constant 8 : i32
        %mul3A_112 = arith.muli %scan3A_110, %mul3A_111 : i32
        %add3A_113 = arith.constant 0 : i32
        %add3A_114 = arith.addi %mul3A_112, %add3A_113 : i32
        %mul3A_115 = arith.constant 16 : i32
        %mul3A_116 = arith.muli %add3A_114, %mul3A_115 : i32
        %get3A = arith.index_cast %mul3A_116 : i32 to index
        %get3A_117 = tpu.vector_load %arg10[%get3A] {strides = array<i32>} : memref<9600xf32, #tpu.memory_space<vmem>>, vector<16xf32>,
        %min3A = arith.constant 1.000000e+00 : f32
        %min3A_118 = vector.broadcast %min3A : f32 to vector<16xf32>
        %min3A_119 = arith.minimumf %get3A_117, %min3A_118 : vector<16xf32>
        %mul3A_120 = arith.constant 48 : i32
        %mul3A_121 = arith.muli %mul3A_120, %add3A_114 : i32
        %add3A_122 = vector.broadcast %mul3A_121 : i32 to vector<16xi32>
        %add3A_123 = arith.addi %mul3A_54, %add3A_122 : vector<16xi32>
        tpu.vector_store_idx %arg11[%add3A_123], %min3A_119 : memref<28800xf32, #tpu.memory_space<vmem>>[vector<16xi32>], vector<16xf32>,
        %add3A_124 = arith.constant 1 : i32
        %add3A_125 = arith.addi %mul3A_121, %add3A_124 : i32
        %add3A_126 = vector.broadcast %add3A_125 : i32 to vector<16xi32>
        %add3A_127 = arith.addi %mul3A_54, %add3A_126 : vector<16xi32>
        tpu.vector_store_idx %arg11[%add3A_127], %min3A_119 : memref<28800xf32, #tpu.memory_space<vmem>>[vector<16xi32>], vector<16xf32>,
        %add3A_128 = arith.constant 2 : i32
        %add3A_129 = arith.addi %mul3A_121, %add3A_128 : i32
        %add3A_130 = vector.broadcast %add3A_129 : i32 to vector<16xi32>
        %add3A_131 = arith.addi %mul3A_54, %add3A_130 : vector<16xi32>
        tpu.vector_store_idx %arg11[%add3A_131], %min3A_119 : memref<28800xf32, #tpu.memory_space<vmem>>[vector<16xi32>], vector<16xf32>,
        %mul3A_132 = arith.constant 8 : i32
        %mul3A_133 = arith.muli %scan3A_110, %mul3A_132 : i32
        %add3A_134 = arith.constant 1 : i32
        %add3A_135 = arith.addi %mul3A_133, %add3A_134 : i32
        %mul3A_136 = arith.constant 16 : i32
        %mul3A_137 = arith.muli %add3A_135, %mul3A_136 : i32
        %get3A_138 = arith.index_cast %mul3A_137 : i32 to index
        %get3A_139 = tpu.vector_load %arg10[%get3A_138] {strides = array<i32>} : memref<9600xf32, #tpu.memory_space<vmem>>, vector<16xf32>,
        %min3A_140 = arith.constant 1.000000e+00 : f32
        %min3A_141 = vector.broadcast %min3A_140 : f32 to vector<16xf32>
        %min3A_142 = arith.minimumf %get3A_139, %min3A_141 : vector<16xf32>
        %mul3A_143 = arith.constant 48 : i32
        %mul3A_144 = arith.muli %mul3A_143, %add3A_135 : i32
        %add3A_145 = vector.broadcast %mul3A_144 : i32 to vector<16xi32>
        %add3A_146 = arith.addi %mul3A_54, %add3A_145 : vector<16xi32>
        tpu.vector_store_idx %arg11[%add3A_146], %min3A_142 : memref<28800xf32, #tpu.memory_space<vmem>>[vector<16xi32>], vector<16xf32>,
        %add3A_147 = arith.constant 1 : i32
        %add3A_148 = arith.addi %mul3A_144, %add3A_147 : i32
        %add3A_149 = vector.broadcast %add3A_148 : i32 to vector<16xi32>
        %add3A_150 = arith.addi %mul3A_54, %add3A_149 : vector<16xi32>
        tpu.vector_store_idx %arg11[%add3A_150], %min3A_142 : memref<28800xf32, #tpu.memory_space<vmem>>[vector<16xi32>], vector<16xf32>,
        %add3A_151 = arith.constant 2 : i32
        %add3A_152 = arith.addi %mul3A_144, %add3A_151 : i32
        %add3A_153 = vector.broadcast %add3A_152 : i32 to vector<16xi32>
        %add3A_154 = arith.addi %mul3A_54, %add3A_153 : vector<16xi32>
        tpu.vector_store_idx %arg11[%add3A_154], %min3A_142 : memref<28800xf32, #tpu.memory_space<vmem>>[vector<16xi32>], vector<16xf32>,
        %mul3A_155 = arith.constant 8 : i32
        %mul3A_156 = arith.muli %scan3A_110, %mul3A_155 : i32
        %add3A_157 = arith.constant 2 : i32
        %add3A_158 = arith.addi %mul3A_156, %add3A_157 : i32
        %mul3A_159 = arith.constant 16 : i32
        %mul3A_160 = arith.muli %add3A_158, %mul3A_159 : i32
        %get3A_161 = arith.index_cast %mul3A_160 : i32 to index
        %get3A_162 = tpu.vector_load %arg10[%get3A_161] {strides = array<i32>} : memref<9600xf32, #tpu.memory_space<vmem>>, vector<16xf32>,
        %min3A_163 = arith.constant 1.000000e+00 : f32
        %min3A_164 = vector.broadcast %min3A_163 : f32 to vector<16xf32>
        %min3A_165 = arith.minimumf %get3A_162, %min3A_164 : vector<16xf32>
        %mul3A_166 = arith.constant 48 : i32
        %mul3A_167 = arith.muli %mul3A_166, %add3A_158 : i32
        %add3A_168 = vector.broadcast %mul3A_167 : i32 to vector<16xi32>
        %add3A_169 = arith.addi %mul3A_54, %add3A_168 : vector<16xi32>
        tpu.vector_store_idx %arg11[%add3A_169], %min3A_165 : memref<28800xf32, #tpu.memory_space<vmem>>[vector<16xi32>], vector<16xf32>,
        %add3A_170 = arith.constant 1 : i32
        %add3A_171 = arith.addi %mul3A_167, %add3A_170 : i32
        %add3A_172 = vector.broadcast %add3A_171 : i32 to vector<16xi32>
        %add3A_173 = arith.addi %mul3A_54, %add3A_172 : vector<16xi32>
        tpu.vector_store_idx %arg11[%add3A_173], %min3A_165 : memref<28800xf32, #tpu.memory_space<vmem>>[vector<16xi32>], vector<16xf32>,
        %add3A_174 = arith.constant 2 : i32
        %add3A_175 = arith.addi %mul3A_167, %add3A_174 : i32
        %add3A_176 = vector.broadcast %add3A_175 : i32 to vector<16xi32>
        %add3A_177 = arith.addi %mul3A_54, %add3A_176 : vector<16xi32>
        tpu.vector_store_idx %arg11[%add3A_177], %min3A_165 : memref<28800xf32, #tpu.memory_space<vmem>>[vector<16xi32>], vector<16xf32>,
        %mul3A_178 = arith.constant 8 : i32
        %mul3A_179 = arith.muli %scan3A_110, %mul3A_178 : i32
        %add3A_180 = arith.constant 3 : i32
        %add3A_181 = arith.addi %mul3A_179, %add3A_180 : i32
        %mul3A_182 = arith.constant 16 : i32
        %mul3A_183 = arith.muli %add3A_181, %mul3A_182 : i32
        %get3A_184 = arith.index_cast %mul3A_183 : i32 to index
        %get3A_185 = tpu.vector_load %arg10[%get3A_184] {strides = array<i32>} : memref<9600xf32, #tpu.memory_space<vmem>>, vector<16xf32>,
        %min3A_186 = arith.constant 1.000000e+00 : f32
        %min3A_187 = vector.broadcast %min3A_186 : f32 to vector<16xf32>
        %min3A_188 = arith.minimumf %get3A_185, %min3A_187 : vector<16xf32>
        %mul3A_189 = arith.constant 48 : i32
        %mul3A_190 = arith.muli %mul3A_189, %add3A_181 : i32
        %add3A_191 = vector.broadcast %mul3A_190 : i32 to vector<16xi32>
        %add3A_192 = arith.addi %mul3A_54, %add3A_191 : vector<16xi32>
        tpu.vector_store_idx %arg11[%add3A_192], %min3A_188 : memref<28800xf32, #tpu.memory_space<vmem>>[vector<16xi32>], vector<16xf32>,
        %add3A_193 = arith.constant 1 : i32
        %add3A_194 = arith.addi %mul3A_190, %add3A_193 : i32
        %add3A_195 = vector.broadcast %add3A_194 : i32 to vector<16xi32>
        %add3A_196 = arith.addi %mul3A_54, %add3A_195 : vector<16xi32>
        tpu.vector_store_idx %arg11[%add3A_196], %min3A_188 : memref<28800xf32, #tpu.memory_space<vmem>>[vector<16xi32>], vector<16xf32>,
        %add3A_197 = arith.constant 2 : i32
        %add3A_198 = arith.addi %mul3A_190, %add3A_197 : i32
        %add3A_199 = vector.broadcast %add3A_198 : i32 to vector<16xi32>
        %add3A_200 = arith.addi %mul3A_54, %add3A_199 : vector<16xi32>
        tpu.vector_store_idx %arg11[%add3A_200], %min3A_188 : memref<28800xf32, #tpu.memory_space<vmem>>[vector<16xi32>], vector<16xf32>,
        %mul3A_201 = arith.constant 8 : i32
        %mul3A_202 = arith.muli %scan3A_110, %mul3A_201 : i32
        %add3A_203 = arith.constant 4 : i32
        %add3A_204 = arith.addi %mul3A_202, %add3A_203 : i32
        %mul3A_205 = arith.constant 16 : i32
        %mul3A_206 = arith.muli %add3A_204, %mul3A_205 : i32
        %get3A_207 = arith.index_cast %mul3A_206 : i32 to index
        %get3A_208 = tpu.vector_load %arg10[%get3A_207] {strides = array<i32>} : memref<9600xf32, #tpu.memory_space<vmem>>, vector<16xf32>,
        %min3A_209 = arith.constant 1.000000e+00 : f32
        %min3A_210 = vector.broadcast %min3A_209 : f32 to vector<16xf32>
        %min3A_211 = arith.minimumf %get3A_208, %min3A_210 : vector<16xf32>
        %mul3A_212 = arith.constant 48 : i32
        %mul3A_213 = arith.muli %mul3A_212, %add3A_204 : i32
        %add3A_214 = vector.broadcast %mul3A_213 : i32 to vector<16xi32>
        %add3A_215 = arith.addi %mul3A_54, %add3A_214 : vector<16xi32>
        tpu.vector_store_idx %arg11[%add3A_215], %min3A_211 : memref<28800xf32, #tpu.memory_space<vmem>>[vector<16xi32>], vector<16xf32>,
        %add3A_216 = arith.constant 1 : i32
        %add3A_217 = arith.addi %mul3A_213, %add3A_216 : i32
        %add3A_218 = vector.broadcast %add3A_217 : i32 to vector<16xi32>
        %add3A_219 = arith.addi %mul3A_54, %add3A_218 : vector<16xi32>
        tpu.vector_store_idx %arg11[%add3A_219], %min3A_211 : memref<28800xf32, #tpu.memory_space<vmem>>[vector<16xi32>], vector<16xf32>,
        %add3A_220 = arith.constant 2 : i32
        %add3A_221 = arith.addi %mul3A_213, %add3A_220 : i32
        %add3A_222 = vector.broadcast %add3A_221 : i32 to vector<16xi32>
        %add3A_223 = arith.addi %mul3A_54, %add3A_222 : vector<16xi32>
        tpu.vector_store_idx %arg11[%add3A_223], %min3A_211 : memref<28800xf32, #tpu.memory_space<vmem>>[vector<16xi32>], vector<16xf32>,
        %mul3A_224 = arith.constant 8 : i32
        %mul3A_225 = arith.muli %scan3A_110, %mul3A_224 : i32
        %add3A_226 = arith.constant 5 : i32
        %add3A_227 = arith.addi %mul3A_225, %add3A_226 : i32
        %mul3A_228 = arith.constant 16 : i32
        %mul3A_229 = arith.muli %add3A_227, %mul3A_228 : i32
        %get3A_230 = arith.index_cast %mul3A_229 : i32 to index
        %get3A_231 = tpu.vector_load %arg10[%get3A_230] {strides = array<i32>} : memref<9600xf32, #tpu.memory_space<vmem>>, vector<16xf32>,
        %min3A_232 = arith.constant 1.000000e+00 : f32
        %min3A_233 = vector.broadcast %min3A_232 : f32 to vector<16xf32>
        %min3A_234 = arith.minimumf %get3A_231, %min3A_233 : vector<16xf32>
        %mul3A_235 = arith.constant 48 : i32
        %mul3A_236 = arith.muli %mul3A_235, %add3A_227 : i32
        %add3A_237 = vector.broadcast %mul3A_236 : i32 to vector<16xi32>
        %add3A_238 = arith.addi %mul3A_54, %add3A_237 : vector<16xi32>
        tpu.vector_store_idx %arg11[%add3A_238], %min3A_234 : memref<28800xf32, #tpu.memory_space<vmem>>[vector<16xi32>], vector<16xf32>,
        %add3A_239 = arith.constant 1 : i32
        %add3A_240 = arith.addi %mul3A_236, %add3A_239 : i32
        %add3A_241 = vector.broadcast %add3A_240 : i32 to vector<16xi32>
        %add3A_242 = arith.addi %mul3A_54, %add3A_241 : vector<16xi32>
        tpu.vector_store_idx %arg11[%add3A_242], %min3A_234 : memref<28800xf32, #tpu.memory_space<vmem>>[vector<16xi32>], vector<16xf32>,
        %add3A_243 = arith.constant 2 : i32
        %add3A_244 = arith.addi %mul3A_236, %add3A_243 : i32
        %add3A_245 = vector.broadcast %add3A_244 : i32 to vector<16xi32>
        %add3A_246 = arith.addi %mul3A_54, %add3A_245 : vector<16xi32>
        tpu.vector_store_idx %arg11[%add3A_246], %min3A_234 : memref<28800xf32, #tpu.memory_space<vmem>>[vector<16xi32>], vector<16xf32>,
        %mul3A_247 = arith.constant 8 : i32
        %mul3A_248 = arith.muli %scan3A_110, %mul3A_247 : i32
        %add3A_249 = arith.constant 6 : i32
        %add3A_250 = arith.addi %mul3A_248, %add3A_249 : i32
        %mul3A_251 = arith.constant 16 : i32
        %mul3A_252 = arith.muli %add3A_250, %mul3A_251 : i32
        %get3A_253 = arith.index_cast %mul3A_252 : i32 to index
        %get3A_254 = tpu.vector_load %arg10[%get3A_253] {strides = array<i32>} : memref<9600xf32, #tpu.memory_space<vmem>>, vector<16xf32>,
        %min3A_255 = arith.constant 1.000000e+00 : f32
        %min3A_256 = vector.broadcast %min3A_255 : f32 to vector<16xf32>
        %min3A_257 = arith.minimumf %get3A_254, %min3A_256 : vector<16xf32>
        %mul3A_258 = arith.constant 48 : i32
        %mul3A_259 = arith.muli %mul3A_258, %add3A_250 : i32
        %add3A_260 = vector.broadcast %mul3A_259 : i32 to vector<16xi32>
        %add3A_261 = arith.addi %mul3A_54, %add3A_260 : vector<16xi32>
        tpu.vector_store_idx %arg11[%add3A_261], %min3A_257 : memref<28800xf32, #tpu.memory_space<vmem>>[vector<16xi32>], vector<16xf32>,
        %add3A_262 = arith.constant 1 : i32
        %add3A_263 = arith.addi %mul3A_259, %add3A_262 : i32
        %add3A_264 = vector.broadcast %add3A_263 : i32 to vector<16xi32>
        %add3A_265 = arith.addi %mul3A_54, %add3A_264 : vector<16xi32>
        tpu.vector_store_idx %arg11[%add3A_265], %min3A_257 : memref<28800xf32, #tpu.memory_space<vmem>>[vector<16xi32>], vector<16xf32>,
        %add3A_266 = arith.constant 2 : i32
        %add3A_267 = arith.addi %mul3A_259, %add3A_266 : i32
        %add3A_268 = vector.broadcast %add3A_267 : i32 to vector<16xi32>
        %add3A_269 = arith.addi %mul3A_54, %add3A_268 : vector<16xi32>
        tpu.vector_store_idx %arg11[%add3A_269], %min3A_257 : memref<28800xf32, #tpu.memory_space<vmem>>[vector<16xi32>], vector<16xf32>,
        %mul3A_270 = arith.constant 8 : i32
        %mul3A_271 = arith.muli %scan3A_110, %mul3A_270 : i32
        %add3A_272 = arith.constant 7 : i32
        %add3A_273 = arith.addi %mul3A_271, %add3A_272 : i32
        %mul3A_274 = arith.constant 16 : i32
        %mul3A_275 = arith.muli %add3A_273, %mul3A_274 : i32
        %get3A_276 = arith.index_cast %mul3A_275 : i32 to index
        %get3A_277 = tpu.vector_load %arg10[%get3A_276] {strides = array<i32>} : memref<9600xf32, #tpu.memory_space<vmem>>, vector<16xf32>,
        %min3A_278 = arith.constant 1.000000e+00 : f32
        %min3A_279 = vector.broadcast %min3A_278 : f32 to vector<16xf32>
        %min3A_280 = arith.minimumf %get3A_277, %min3A_279 : vector<16xf32>
        %mul3A_281 = arith.constant 48 : i32
        %mul3A_282 = arith.muli %mul3A_281, %add3A_273 : i32
        %add3A_283 = vector.broadcast %mul3A_282 : i32 to vector<16xi32>
        %add3A_284 = arith.addi %mul3A_54, %add3A_283 : vector<16xi32>
        tpu.vector_store_idx %arg11[%add3A_284], %min3A_280 : memref<28800xf32, #tpu.memory_space<vmem>>[vector<16xi32>], vector<16xf32>,
        %add3A_285 = arith.constant 1 : i32
        %add3A_286 = arith.addi %mul3A_282, %add3A_285 : i32
        %add3A_287 = vector.broadcast %add3A_286 : i32 to vector<16xi32>
        %add3A_288 = arith.addi %mul3A_54, %add3A_287 : vector<16xi32>
        tpu.vector_store_idx %arg11[%add3A_288], %min3A_280 : memref<28800xf32, #tpu.memory_space<vmem>>[vector<16xi32>], vector<16xf32>,
        %add3A_289 = arith.constant 2 : i32
        %add3A_290 = arith.addi %mul3A_282, %add3A_289 : i32
        %add3A_291 = vector.broadcast %add3A_290 : i32 to vector<16xi32>
        %add3A_292 = arith.addi %mul3A_54, %add3A_291 : vector<16xi32>
        tpu.vector_store_idx %arg11[%add3A_292], %min3A_280 : memref<28800xf32, #tpu.memory_space<vmem>>[vector<16xi32>], vector<16xf32>,
      }
      %scan3A_107 = arith.constant 75 : i32
      %mul3A_108 = arith.constant 3 : i32
      %mul3A_109 = arith.muli %mul3A_108, %select_n3A_102 : i32
      "tpu.region"() ({
        %run_scoped3A = tpu.sem_alloc : memref<!tpu.dma_semaphore, #tpu.memory_space<semaphore_mem>>
        %dma_start3A = tpu.memref_slice %arg5[%mul3A_109] : memref<3000000xf32, #tpu.memory_space<hbm>> -> memref<28800xf32, #tpu.memory_space<hbm>>
        %dma_start3A_110 = tpu.memref_slice %arg5[%mul3A_109] : memref<3000000xf32, #tpu.memory_space<hbm>> -> memref<28800xf32, #tpu.memory_space<hbm>>
        tpu.enqueue_dma source(%arg11 : memref<28800xf32, #tpu.memory_space<vmem>>) target(%dma_start3A_110 : memref<28800xf32, #tpu.memory_space<hbm>>) target_semaphore(%run_scoped3A : memref<!tpu.dma_semaphore, #tpu.memory_space<semaphore_mem>>)
        %dma_wait3A = tpu.memref_slice %arg5[%mul3A_109] : memref<3000000xf32, #tpu.memory_space<hbm>> -> memref<28800xf32, #tpu.memory_space<hbm>>
        %dma_wait3A_111 = tpu.memref_slice %arg5[%mul3A_109] : memref<3000000xf32, #tpu.memory_space<hbm>> -> memref<28800xf32, #tpu.memory_space<hbm>>
        tpu.wait_dma2 semaphore(%run_scoped3A : memref<!tpu.dma_semaphore, #tpu.memory_space<semaphore_mem>>) src(%arg11 : memref<28800xf32, #tpu.memory_space<vmem>>) dst(%dma_wait3A_111 : memref<28800xf32, #tpu.memory_space<hbm>>)
        tpu.yield
      }) : () -> ()
    }
    %while3A_93 = arith.constant 1 : i32
    scf.for %while3A_94 = %while3A_91 to %while3A_87 step %while3A_93  : i32 {
      %mul3A_95 = arith.constant 32 : i32
      %mul3A_96 = arith.muli %while3A_94, %mul3A_95 : i32
      %add3A_97 = arith.addi %add3A, %mul3A_96 : i32
      %eq3A = arith.constant 104 : i32
      %eq3A_98 = arith.cmpi eq, %add3A_97, %eq3A : i32
      %mul3A_99 = arith.constant 9600 : i32
      %mul3A_100 = arith.muli %add3A_97, %mul3A_99 : i32
      %jit3A_101 = arith.constant 990400 : i32
      %select_n3A_102 = arith.select %eq3A_98, %jit3A_101, %mul3A_100 : i32
      "tpu.region"() ({
        %run_scoped3A = tpu.sem_alloc : memref<!tpu.dma_semaphore, #tpu.memory_space<semaphore_mem>>
        %dma_start3A = tpu.memref_slice %arg6[%select_n3A_102] : memref<1000000xf32, #tpu.memory_space<vmem_shared>> -> memref<9600xf32, #tpu.memory_space<vmem_shared>>
        %dma_start3A_110 = tpu.memref_slice %arg6[%select_n3A_102] : memref<1000000xf32, #tpu.memory_space<vmem_shared>> -> memref<9600xf32, #tpu.memory_space<vmem_shared>>
        tpu.enqueue_dma source(%dma_start3A_110 : memref<9600xf32, #tpu.memory_space<vmem_shared>>) target(%arg10 : memref<9600xf32, #tpu.memory_space<vmem>>) target_semaphore(%run_scoped3A : memref<!tpu.dma_semaphore, #tpu.memory_space<semaphore_mem>>)
        %dma_wait3A = tpu.memref_slice %arg6[%select_n3A_102] : memref<1000000xf32, #tpu.memory_space<vmem_shared>> -> memref<9600xf32, #tpu.memory_space<vmem_shared>>
        %dma_wait3A_111 = tpu.memref_slice %arg6[%select_n3A_102] : memref<1000000xf32, #tpu.memory_space<vmem_shared>> -> memref<9600xf32, #tpu.memory_space<vmem_shared>>
        tpu.wait_dma2 semaphore(%run_scoped3A : memref<!tpu.dma_semaphore, #tpu.memory_space<semaphore_mem>>) src(%dma_wait3A_111 : memref<9600xf32, #tpu.memory_space<vmem_shared>>) dst(%arg10 : memref<9600xf32, #tpu.memory_space<vmem>>)
        tpu.yield
      }) : () -> ()
      %scan3A_103 = arith.constant 0 : i32
      %scan3A_104 = arith.constant 75 : i32
      %scan3A_105 = arith.addi %scan3A_103, %scan3A_104 : i32
      %scan3A_106 = arith.constant 1 : i32
      scf.for %scan3A_110 = %scan3A_103 to %scan3A_105 step %scan3A_106  : i32 {
        %mul3A_111 = arith.constant 8 : i32
        %mul3A_112 = arith.muli %scan3A_110, %mul3A_111 : i32
        %add3A_113 = arith.constant 0 : i32
        %add3A_114 = arith.addi %mul3A_112, %add3A_113 : i32
        %mul3A_115 = arith.constant 16 : i32
        %mul3A_116 = arith.muli %add3A_114, %mul3A_115 : i32
        %get3A = arith.index_cast %mul3A_116 : i32 to index
        %get3A_117 = tpu.vector_load %arg10[%get3A] {strides = array<i32>} : memref<9600xf32, #tpu.memory_space<vmem>>, vector<16xf32>,
        %min3A = arith.constant 1.000000e+00 : f32
        %min3A_118 = vector.broadcast %min3A : f32 to vector<16xf32>
        %min3A_119 = arith.minimumf %get3A_117, %min3A_118 : vector<16xf32>
        %mul3A_120 = arith.constant 48 : i32
        %mul3A_121 = arith.muli %mul3A_120, %add3A_114 : i32
        %add3A_122 = vector.broadcast %mul3A_121 : i32 to vector<16xi32>
        %add3A_123 = arith.addi %mul3A_54, %add3A_122 : vector<16xi32>
        tpu.vector_store_idx %arg11[%add3A_123], %min3A_119 : memref<28800xf32, #tpu.memory_space<vmem>>[vector<16xi32>], vector<16xf32>,
        %add3A_124 = arith.constant 1 : i32
        %add3A_125 = arith.addi %mul3A_121, %add3A_124 : i32
        %add3A_126 = vector.broadcast %add3A_125 : i32 to vector<16xi32>
        %add3A_127 = arith.addi %mul3A_54, %add3A_126 : vector<16xi32>
        tpu.vector_store_idx %arg11[%add3A_127], %min3A_119 : memref<28800xf32, #tpu.memory_space<vmem>>[vector<16xi32>], vector<16xf32>,
        %add3A_128 = arith.constant 2 : i32
        %add3A_129 = arith.addi %mul3A_121, %add3A_128 : i32
        %add3A_130 = vector.broadcast %add3A_129 : i32 to vector<16xi32>
        %add3A_131 = arith.addi %mul3A_54, %add3A_130 : vector<16xi32>
        tpu.vector_store_idx %arg11[%add3A_131], %min3A_119 : memref<28800xf32, #tpu.memory_space<vmem>>[vector<16xi32>], vector<16xf32>,
        %mul3A_132 = arith.constant 8 : i32
        %mul3A_133 = arith.muli %scan3A_110, %mul3A_132 : i32
        %add3A_134 = arith.constant 1 : i32
        %add3A_135 = arith.addi %mul3A_133, %add3A_134 : i32
        %mul3A_136 = arith.constant 16 : i32
        %mul3A_137 = arith.muli %add3A_135, %mul3A_136 : i32
        %get3A_138 = arith.index_cast %mul3A_137 : i32 to index
        %get3A_139 = tpu.vector_load %arg10[%get3A_138] {strides = array<i32>} : memref<9600xf32, #tpu.memory_space<vmem>>, vector<16xf32>,
        %min3A_140 = arith.constant 1.000000e+00 : f32
        %min3A_141 = vector.broadcast %min3A_140 : f32 to vector<16xf32>
        %min3A_142 = arith.minimumf %get3A_139, %min3A_141 : vector<16xf32>
        %mul3A_143 = arith.constant 48 : i32
        %mul3A_144 = arith.muli %mul3A_143, %add3A_135 : i32
        %add3A_145 = vector.broadcast %mul3A_144 : i32 to vector<16xi32>
        %add3A_146 = arith.addi %mul3A_54, %add3A_145 : vector<16xi32>
        tpu.vector_store_idx %arg11[%add3A_146], %min3A_142 : memref<28800xf32, #tpu.memory_space<vmem>>[vector<16xi32>], vector<16xf32>,
        %add3A_147 = arith.constant 1 : i32
        %add3A_148 = arith.addi %mul3A_144, %add3A_147 : i32
        %add3A_149 = vector.broadcast %add3A_148 : i32 to vector<16xi32>
        %add3A_150 = arith.addi %mul3A_54, %add3A_149 : vector<16xi32>
        tpu.vector_store_idx %arg11[%add3A_150], %min3A_142 : memref<28800xf32, #tpu.memory_space<vmem>>[vector<16xi32>], vector<16xf32>,
        %add3A_151 = arith.constant 2 : i32
        %add3A_152 = arith.addi %mul3A_144, %add3A_151 : i32
        %add3A_153 = vector.broadcast %add3A_152 : i32 to vector<16xi32>
        %add3A_154 = arith.addi %mul3A_54, %add3A_153 : vector<16xi32>
        tpu.vector_store_idx %arg11[%add3A_154], %min3A_142 : memref<28800xf32, #tpu.memory_space<vmem>>[vector<16xi32>], vector<16xf32>,
        %mul3A_155 = arith.constant 8 : i32
        %mul3A_156 = arith.muli %scan3A_110, %mul3A_155 : i32
        %add3A_157 = arith.constant 2 : i32
        %add3A_158 = arith.addi %mul3A_156, %add3A_157 : i32
        %mul3A_159 = arith.constant 16 : i32
        %mul3A_160 = arith.muli %add3A_158, %mul3A_159 : i32
        %get3A_161 = arith.index_cast %mul3A_160 : i32 to index
        %get3A_162 = tpu.vector_load %arg10[%get3A_161] {strides = array<i32>} : memref<9600xf32, #tpu.memory_space<vmem>>, vector<16xf32>,
        %min3A_163 = arith.constant 1.000000e+00 : f32
        %min3A_164 = vector.broadcast %min3A_163 : f32 to vector<16xf32>
        %min3A_165 = arith.minimumf %get3A_162, %min3A_164 : vector<16xf32>
        %mul3A_166 = arith.constant 48 : i32
        %mul3A_167 = arith.muli %mul3A_166, %add3A_158 : i32
        %add3A_168 = vector.broadcast %mul3A_167 : i32 to vector<16xi32>
        %add3A_169 = arith.addi %mul3A_54, %add3A_168 : vector<16xi32>
        tpu.vector_store_idx %arg11[%add3A_169], %min3A_165 : memref<28800xf32, #tpu.memory_space<vmem>>[vector<16xi32>], vector<16xf32>,
        %add3A_170 = arith.constant 1 : i32
        %add3A_171 = arith.addi %mul3A_167, %add3A_170 : i32
        %add3A_172 = vector.broadcast %add3A_171 : i32 to vector<16xi32>
        %add3A_173 = arith.addi %mul3A_54, %add3A_172 : vector<16xi32>
        tpu.vector_store_idx %arg11[%add3A_173], %min3A_165 : memref<28800xf32, #tpu.memory_space<vmem>>[vector<16xi32>], vector<16xf32>,
        %add3A_174 = arith.constant 2 : i32
        %add3A_175 = arith.addi %mul3A_167, %add3A_174 : i32
        %add3A_176 = vector.broadcast %add3A_175 : i32 to vector<16xi32>
        %add3A_177 = arith.addi %mul3A_54, %add3A_176 : vector<16xi32>
        tpu.vector_store_idx %arg11[%add3A_177], %min3A_165 : memref<28800xf32, #tpu.memory_space<vmem>>[vector<16xi32>], vector<16xf32>,
        %mul3A_178 = arith.constant 8 : i32
        %mul3A_179 = arith.muli %scan3A_110, %mul3A_178 : i32
        %add3A_180 = arith.constant 3 : i32
        %add3A_181 = arith.addi %mul3A_179, %add3A_180 : i32
        %mul3A_182 = arith.constant 16 : i32
        %mul3A_183 = arith.muli %add3A_181, %mul3A_182 : i32
        %get3A_184 = arith.index_cast %mul3A_183 : i32 to index
        %get3A_185 = tpu.vector_load %arg10[%get3A_184] {strides = array<i32>} : memref<9600xf32, #tpu.memory_space<vmem>>, vector<16xf32>,
        %min3A_186 = arith.constant 1.000000e+00 : f32
        %min3A_187 = vector.broadcast %min3A_186 : f32 to vector<16xf32>
        %min3A_188 = arith.minimumf %get3A_185, %min3A_187 : vector<16xf32>
        %mul3A_189 = arith.constant 48 : i32
        %mul3A_190 = arith.muli %mul3A_189, %add3A_181 : i32
        %add3A_191 = vector.broadcast %mul3A_190 : i32 to vector<16xi32>
        %add3A_192 = arith.addi %mul3A_54, %add3A_191 : vector<16xi32>
        tpu.vector_store_idx %arg11[%add3A_192], %min3A_188 : memref<28800xf32, #tpu.memory_space<vmem>>[vector<16xi32>], vector<16xf32>,
        %add3A_193 = arith.constant 1 : i32
        %add3A_194 = arith.addi %mul3A_190, %add3A_193 : i32
        %add3A_195 = vector.broadcast %add3A_194 : i32 to vector<16xi32>
        %add3A_196 = arith.addi %mul3A_54, %add3A_195 : vector<16xi32>
        tpu.vector_store_idx %arg11[%add3A_196], %min3A_188 : memref<28800xf32, #tpu.memory_space<vmem>>[vector<16xi32>], vector<16xf32>,
        %add3A_197 = arith.constant 2 : i32
        %add3A_198 = arith.addi %mul3A_190, %add3A_197 : i32
        %add3A_199 = vector.broadcast %add3A_198 : i32 to vector<16xi32>
        %add3A_200 = arith.addi %mul3A_54, %add3A_199 : vector<16xi32>
        tpu.vector_store_idx %arg11[%add3A_200], %min3A_188 : memref<28800xf32, #tpu.memory_space<vmem>>[vector<16xi32>], vector<16xf32>,
        %mul3A_201 = arith.constant 8 : i32
        %mul3A_202 = arith.muli %scan3A_110, %mul3A_201 : i32
        %add3A_203 = arith.constant 4 : i32
        %add3A_204 = arith.addi %mul3A_202, %add3A_203 : i32
        %mul3A_205 = arith.constant 16 : i32
        %mul3A_206 = arith.muli %add3A_204, %mul3A_205 : i32
        %get3A_207 = arith.index_cast %mul3A_206 : i32 to index
        %get3A_208 = tpu.vector_load %arg10[%get3A_207] {strides = array<i32>} : memref<9600xf32, #tpu.memory_space<vmem>>, vector<16xf32>,
        %min3A_209 = arith.constant 1.000000e+00 : f32
        %min3A_210 = vector.broadcast %min3A_209 : f32 to vector<16xf32>
        %min3A_211 = arith.minimumf %get3A_208, %min3A_210 : vector<16xf32>
        %mul3A_212 = arith.constant 48 : i32
        %mul3A_213 = arith.muli %mul3A_212, %add3A_204 : i32
        %add3A_214 = vector.broadcast %mul3A_213 : i32 to vector<16xi32>
        %add3A_215 = arith.addi %mul3A_54, %add3A_214 : vector<16xi32>
        tpu.vector_store_idx %arg11[%add3A_215], %min3A_211 : memref<28800xf32, #tpu.memory_space<vmem>>[vector<16xi32>], vector<16xf32>,
        %add3A_216 = arith.constant 1 : i32
        %add3A_217 = arith.addi %mul3A_213, %add3A_216 : i32
        %add3A_218 = vector.broadcast %add3A_217 : i32 to vector<16xi32>
        %add3A_219 = arith.addi %mul3A_54, %add3A_218 : vector<16xi32>
        tpu.vector_store_idx %arg11[%add3A_219], %min3A_211 : memref<28800xf32, #tpu.memory_space<vmem>>[vector<16xi32>], vector<16xf32>,
        %add3A_220 = arith.constant 2 : i32
        %add3A_221 = arith.addi %mul3A_213, %add3A_220 : i32
        %add3A_222 = vector.broadcast %add3A_221 : i32 to vector<16xi32>
        %add3A_223 = arith.addi %mul3A_54, %add3A_222 : vector<16xi32>
        tpu.vector_store_idx %arg11[%add3A_223], %min3A_211 : memref<28800xf32, #tpu.memory_space<vmem>>[vector<16xi32>], vector<16xf32>,
        %mul3A_224 = arith.constant 8 : i32
        %mul3A_225 = arith.muli %scan3A_110, %mul3A_224 : i32
        %add3A_226 = arith.constant 5 : i32
        %add3A_227 = arith.addi %mul3A_225, %add3A_226 : i32
        %mul3A_228 = arith.constant 16 : i32
        %mul3A_229 = arith.muli %add3A_227, %mul3A_228 : i32
        %get3A_230 = arith.index_cast %mul3A_229 : i32 to index
        %get3A_231 = tpu.vector_load %arg10[%get3A_230] {strides = array<i32>} : memref<9600xf32, #tpu.memory_space<vmem>>, vector<16xf32>,
        %min3A_232 = arith.constant 1.000000e+00 : f32
        %min3A_233 = vector.broadcast %min3A_232 : f32 to vector<16xf32>
        %min3A_234 = arith.minimumf %get3A_231, %min3A_233 : vector<16xf32>
        %mul3A_235 = arith.constant 48 : i32
        %mul3A_236 = arith.muli %mul3A_235, %add3A_227 : i32
        %add3A_237 = vector.broadcast %mul3A_236 : i32 to vector<16xi32>
        %add3A_238 = arith.addi %mul3A_54, %add3A_237 : vector<16xi32>
        tpu.vector_store_idx %arg11[%add3A_238], %min3A_234 : memref<28800xf32, #tpu.memory_space<vmem>>[vector<16xi32>], vector<16xf32>,
        %add3A_239 = arith.constant 1 : i32
        %add3A_240 = arith.addi %mul3A_236, %add3A_239 : i32
        %add3A_241 = vector.broadcast %add3A_240 : i32 to vector<16xi32>
        %add3A_242 = arith.addi %mul3A_54, %add3A_241 : vector<16xi32>
        tpu.vector_store_idx %arg11[%add3A_242], %min3A_234 : memref<28800xf32, #tpu.memory_space<vmem>>[vector<16xi32>], vector<16xf32>,
        %add3A_243 = arith.constant 2 : i32
        %add3A_244 = arith.addi %mul3A_236, %add3A_243 : i32
        %add3A_245 = vector.broadcast %add3A_244 : i32 to vector<16xi32>
        %add3A_246 = arith.addi %mul3A_54, %add3A_245 : vector<16xi32>
        tpu.vector_store_idx %arg11[%add3A_246], %min3A_234 : memref<28800xf32, #tpu.memory_space<vmem>>[vector<16xi32>], vector<16xf32>,
        %mul3A_247 = arith.constant 8 : i32
        %mul3A_248 = arith.muli %scan3A_110, %mul3A_247 : i32
        %add3A_249 = arith.constant 6 : i32
        %add3A_250 = arith.addi %mul3A_248, %add3A_249 : i32
        %mul3A_251 = arith.constant 16 : i32
        %mul3A_252 = arith.muli %add3A_250, %mul3A_251 : i32
        %get3A_253 = arith.index_cast %mul3A_252 : i32 to index
        %get3A_254 = tpu.vector_load %arg10[%get3A_253] {strides = array<i32>} : memref<9600xf32, #tpu.memory_space<vmem>>, vector<16xf32>,
        %min3A_255 = arith.constant 1.000000e+00 : f32
        %min3A_256 = vector.broadcast %min3A_255 : f32 to vector<16xf32>
        %min3A_257 = arith.minimumf %get3A_254, %min3A_256 : vector<16xf32>
        %mul3A_258 = arith.constant 48 : i32
        %mul3A_259 = arith.muli %mul3A_258, %add3A_250 : i32
        %add3A_260 = vector.broadcast %mul3A_259 : i32 to vector<16xi32>
        %add3A_261 = arith.addi %mul3A_54, %add3A_260 : vector<16xi32>
        tpu.vector_store_idx %arg11[%add3A_261], %min3A_257 : memref<28800xf32, #tpu.memory_space<vmem>>[vector<16xi32>], vector<16xf32>,
        %add3A_262 = arith.constant 1 : i32
        %add3A_263 = arith.addi %mul3A_259, %add3A_262 : i32
        %add3A_264 = vector.broadcast %add3A_263 : i32 to vector<16xi32>
        %add3A_265 = arith.addi %mul3A_54, %add3A_264 : vector<16xi32>
        tpu.vector_store_idx %arg11[%add3A_265], %min3A_257 : memref<28800xf32, #tpu.memory_space<vmem>>[vector<16xi32>], vector<16xf32>,
        %add3A_266 = arith.constant 2 : i32
        %add3A_267 = arith.addi %mul3A_259, %add3A_266 : i32
        %add3A_268 = vector.broadcast %add3A_267 : i32 to vector<16xi32>
        %add3A_269 = arith.addi %mul3A_54, %add3A_268 : vector<16xi32>
        tpu.vector_store_idx %arg11[%add3A_269], %min3A_257 : memref<28800xf32, #tpu.memory_space<vmem>>[vector<16xi32>], vector<16xf32>,
        %mul3A_270 = arith.constant 8 : i32
        %mul3A_271 = arith.muli %scan3A_110, %mul3A_270 : i32
        %add3A_272 = arith.constant 7 : i32
        %add3A_273 = arith.addi %mul3A_271, %add3A_272 : i32
        %mul3A_274 = arith.constant 16 : i32
        %mul3A_275 = arith.muli %add3A_273, %mul3A_274 : i32
        %get3A_276 = arith.index_cast %mul3A_275 : i32 to index
        %get3A_277 = tpu.vector_load %arg10[%get3A_276] {strides = array<i32>} : memref<9600xf32, #tpu.memory_space<vmem>>, vector<16xf32>,
        %min3A_278 = arith.constant 1.000000e+00 : f32
        %min3A_279 = vector.broadcast %min3A_278 : f32 to vector<16xf32>
        %min3A_280 = arith.minimumf %get3A_277, %min3A_279 : vector<16xf32>
        %mul3A_281 = arith.constant 48 : i32
        %mul3A_282 = arith.muli %mul3A_281, %add3A_273 : i32
        %add3A_283 = vector.broadcast %mul3A_282 : i32 to vector<16xi32>
        %add3A_284 = arith.addi %mul3A_54, %add3A_283 : vector<16xi32>
        tpu.vector_store_idx %arg11[%add3A_284], %min3A_280 : memref<28800xf32, #tpu.memory_space<vmem>>[vector<16xi32>], vector<16xf32>,
        %add3A_285 = arith.constant 1 : i32
        %add3A_286 = arith.addi %mul3A_282, %add3A_285 : i32
        %add3A_287 = vector.broadcast %add3A_286 : i32 to vector<16xi32>
        %add3A_288 = arith.addi %mul3A_54, %add3A_287 : vector<16xi32>
        tpu.vector_store_idx %arg11[%add3A_288], %min3A_280 : memref<28800xf32, #tpu.memory_space<vmem>>[vector<16xi32>], vector<16xf32>,
        %add3A_289 = arith.constant 2 : i32
        %add3A_290 = arith.addi %mul3A_282, %add3A_289 : i32
        %add3A_291 = vector.broadcast %add3A_290 : i32 to vector<16xi32>
        %add3A_292 = arith.addi %mul3A_54, %add3A_291 : vector<16xi32>
        tpu.vector_store_idx %arg11[%add3A_292], %min3A_280 : memref<28800xf32, #tpu.memory_space<vmem>>[vector<16xi32>], vector<16xf32>,
      }
      %scan3A_107 = arith.constant 75 : i32
      %mul3A_108 = arith.constant 3 : i32
      %mul3A_109 = arith.muli %mul3A_108, %select_n3A_102 : i32
      "tpu.region"() ({
        %run_scoped3A = tpu.sem_alloc : memref<!tpu.dma_semaphore, #tpu.memory_space<semaphore_mem>>
        %dma_start3A = tpu.memref_slice %arg5[%mul3A_109] : memref<3000000xf32, #tpu.memory_space<hbm>> -> memref<28800xf32, #tpu.memory_space<hbm>>
        %dma_start3A_110 = tpu.memref_slice %arg5[%mul3A_109] : memref<3000000xf32, #tpu.memory_space<hbm>> -> memref<28800xf32, #tpu.memory_space<hbm>>
        tpu.enqueue_dma source(%arg11 : memref<28800xf32, #tpu.memory_space<vmem>>) target(%dma_start3A_110 : memref<28800xf32, #tpu.memory_space<hbm>>) target_semaphore(%run_scoped3A : memref<!tpu.dma_semaphore, #tpu.memory_space<semaphore_mem>>)
        %dma_wait3A = tpu.memref_slice %arg5[%mul3A_109] : memref<3000000xf32, #tpu.memory_space<hbm>> -> memref<28800xf32, #tpu.memory_space<hbm>>
        %dma_wait3A_111 = tpu.memref_slice %arg5[%mul3A_109] : memref<3000000xf32, #tpu.memory_space<hbm>> -> memref<28800xf32, #tpu.memory_space<hbm>>
        tpu.wait_dma2 semaphore(%run_scoped3A : memref<!tpu.dma_semaphore, #tpu.memory_space<semaphore_mem>>) src(%arg11 : memref<28800xf32, #tpu.memory_space<vmem>>) dst(%dma_wait3A_111 : memref<28800xf32, #tpu.memory_space<hbm>>)
        tpu.yield
      }) : () -> ()
    }
    return
  }
}

</mosaic_0001>

<sc_bundles>
// kernel: kernel.3.cloned.1.call-start
scs
__scs_entry_jumppad:
0x0: {  	(pc) =	sbr.rel $0x88, $3  }
0x1: {  	(tag) =	ssettag $0x0;
	lr =	simm.s32 $0x1  }
0x2: {  	[smem:$0x3FA0] =	sst lr;
	_ =	strace $0xD0000000  }
0x3: {  	_ = 	snop  }
0x4: {  	_ = 	snop  }
0x5: {  	_ = 	snop  }
0x6: {  	_ = 	snop  }
0x7: {  	_ = 	snop  }
__scs_overlays_trampoline_lowered:
0x8: {  	[smem:$0x3FAF] =	sst s0  }
0x9: {  	[smem:$0x3FB0] =	sst s1  }
0xa: {  	[smem:$0x3FB1] =	sst s2  }
0xb: {  	[smem:$0x3FB2] =	sst s3  }
0xc: {  	[smem:$0x3FB3] =	sst s4  }
0xd: {  	[smem:$0x3FB4] =	sst s5  }
0xe: {  	[smem:$0x3FB5] =	sst s6  }
0xf: {  	[smem:$0x3FB6] =	sst s7  }
0x10: {  	[smem:$0x3FB7] =	sst s8  }
0x11: {  	[smem:$0x3FB8] =	sst s9;
	s0 =	simm.s32 @!p0 $0x0  }
0x12: {  	s1 =	sld [smem:$0x3F9E];
	s0 =	simm.s32 @p0 $0x1  }
0x13: {  	[smem:$0x3FB9] =	sst s0;
	s0 =	simm.s32 @!p1 $0x0  }
0x14: {  	s2 =	sld [smem:$0x3F9D];
	s0 =	simm.s32 @p1 $0x1  }
0x15: {  	[smem:$0x3FBA] =	sst s0;
	s0 =	simm.s32 @!p2 $0x0  }
0x16: {  	s3 =	sld [smem:$0x3FDB];
	s0 =	simm.s32 @p2 $0x1  }
0x17: {  	s4 =	simm.s32 $0x1BF5;
	[smem:$0x3FBC] =	sst s0  }
0x18: {  	s0 =	sld [smem:$0x3F9F];
	_ =	swait.ge [sflag:s4], $0x0  }
0x19: {  	s7 =	sld [smem:$0x3FA0]  }
0x1a: {  	s8 =	sadd.s32 $0xFFFFE003, lr  }
0x1b: {  	s9 =	sadd.s32 $0xFFFFFEF7, lr;
	s5 =	simm.s32 $0xFFFFFFFF;
	p2 =	slt.u32 s8, $0xFFFFF086  }
0x1c: {  	p1 =	slt.u32 s9, $0xF7A;
	s5 =	simm.s32 @!p2 $0x0  }
0x1d: {  	s5 =	simm.s32 @p1 $0x1;
	p0 =	seq.s32 s7, s2  }
0x1e: {  	s7 =	smul.u32 @!p0 $0xF7A, s2;
	p2 =	seq.s32 @!p0 s5, $0x0  }
0x1f: {  	s9 =	smul.u32 $0xF7A, s1;
	s8 =	simm.s32 @!p0 $0x1BF5;
	p2 =	por !p2, p0  }
0x20: {  	[sflag:s8] =	ssyncset.s32 @!p0 $0xFFFFF086;
	s6 =	sadd.s32 @!p0 s3, s7;
	s7 =	simm.s32 @!p0 $0x108  }
0x21: {  	s3 =	sadd.s32 s3, s9;
	s6 =	sadd.s32 @!p0 $0x88, s6;
	s7 =	simm.s32 @p2 $0x1082  }
0x22: {  	[simem:s7], [sflag:s8] =	dma.local @!p0 [hbm:s6], $0xF7A  }
0x23: {  	s9 =	sor.u32 $0xD0000000, s2;
	s6 =	simm.s32 $0x108;
	_ =	swait.ge @!p0 [sflag:s8], $0x0  }
0x24: {  	s3 =	sadd.s32 $0x88, s3;
	s6 =	simm.s32 @!p1 $0x1082;
	[sflag:s4] =	ssyncset.s32 $0xFFFFF086  }
0x25: {  	[simem:s6], [sflag:s4] =	dma.local [hbm:s3], $0xF7A  }
0x26: {  	[smem:$0x3FA0] =	sst s1;
	(tag) =	ssettag s2;
	_ =	strace s9  }
0x27: {  	s1 =	sld [smem:$0x3FB0]  }
0x28: {  	s2 =	sld [smem:$0x3FB1]  }
0x29: {  	s4 =	sld [smem:$0x3FB3]  }
0x2a: {  	p0 =	seq.s32 s5, $0x0;
	s5 =	sld [smem:$0x3FB4]  }
0x2b: {  	s6 =	sld [smem:$0x3FB5]  }
0x2c: {  	s7 =	sld [smem:$0x3FB6]  }
0x2d: {  	s3 =	simm.s32 $0x108;
	s8 =	sld [smem:$0x3FB7]  }
0x2e: {  	s3 =	simm.s32 @!p0 $0x1082;
	s9 =	sld [smem:$0x3FB8]  }
0x2f: {  	lr =	sadd.s32 s0, s3;
	s0 =	sld [smem:$0x3FAF]  }
0x30: {  	s3 =	sld [smem:$0x3FB2]  }
0x31: {  	[smem:$0x3FBB] =	sst s10  }
0x32: {  	s10 =	sld [smem:$0x3FB9];
	_ =	sdelay $0x3  }
0x33: {  	p0 =	seq.s32 s10, $0x1;
	s10 =	sld [smem:$0x3FBB];
	_ =	sdelay $0x3  }
0x34: {  	[smem:$0x3FBB] =	sst s10  }
0x35: {  	s10 =	sld [smem:$0x3FBA];
	_ =	sdelay $0x3  }
0x36: {  	p1 =	seq.s32 s10, $0x1;
	s10 =	sld [smem:$0x3FBB];
	_ =	sdelay $0x3  }
0x37: {  	[smem:$0x3FBB] =	sst s10  }
0x38: {  	s10 =	sld [smem:$0x3FBC]  }
0x39: {  	_ = 	snop;
	(pc) =	sbr.ind lr, $3  }
0x3a: {  	_ = 	snop  }
0x3b: {  	_ = 	snop  }
0x3c: {  	p2 =	seq.s32 s10, $0x1;
	s10 =	sld [smem:$0x3FBB]  }
0x3d: {  	_ =	shalt  }
0x3e: {  	_ =	shalt  }
0x3f: {  	_ =	shalt  }
0x40: {  	_ =	shalt  }
0x41: {  	_ =	shalt  }
0x42: {  	_ =	shalt  }
0x43: {  	_ =	shalt  }
0x44: {  	_ =	shalt  }
0x45: {  	_ =	shalt  }
0x46: {  	_ =	shalt  }
0x47: {  	_ =	shalt  }
0x48: {  	_ =	shalt  }
0x49: {  	_ =	shalt  }
0x4a: {  	_ =	shalt  }
0x4b: {  	_ =	shalt  }
0x4c: {  	_ =	shalt  }
0x4d: {  	_ =	shalt  }
0x4e: {  	_ =	shalt  }
0x4f: {  	_ =	shalt  }
0x50: {  	_ =	shalt  }
0x51: {  	_ =	shalt  }
0x52: {  	_ =	shalt  }
0x53: {  	_ =	shalt  }
0x54: {  	_ =	shalt  }
0x55: {  	_ =	shalt  }
0x56: {  	_ =	shalt  }
0x57: {  	_ =	shalt  }
0x58: {  	_ =	shalt  }
0x59: {  	_ =	shalt  }
0x5a: {  	_ =	shalt  }
0x5b: {  	_ =	shalt  }
0x5c: {  	_ =	shalt  }
0x5d: {  	_ =	shalt  }
0x5e: {  	_ =	shalt  }
0x5f: {  	_ =	shalt  }
0x60: {  	_ =	shalt  }
0x61: {  	_ =	shalt  }
0x62: {  	_ =	shalt  }
0x63: {  	_ =	shalt  }
0x64: {  	_ =	shalt  }
0x65: {  	_ =	shalt  }
0x66: {  	_ =	shalt  }
0x67: {  	_ =	shalt  }
0x68: {  	_ =	shalt  }
0x69: {  	_ =	shalt  }
0x6a: {  	_ =	shalt  }
0x6b: {  	_ =	shalt  }
0x6c: {  	_ =	shalt  }
0x6d: {  	_ =	shalt  }
0x6e: {  	_ =	shalt  }
0x6f: {  	_ =	shalt  }
0x70: {  	_ =	shalt  }
0x71: {  	_ =	shalt  }
0x72: {  	_ =	shalt  }
0x73: {  	_ =	shalt  }
0x74: {  	_ =	shalt  }
0x75: {  	_ =	shalt  }
0x76: {  	_ =	shalt  }
0x77: {  	_ =	shalt  }
0x78: {  	_ =	shalt  }
0x79: {  	_ =	shalt  }
0x7a: {  	_ =	shalt  }
0x7b: {  	_ =	shalt  }
0x7c: {  	_ =	shalt  }
0x7d: {  	_ =	shalt  }
0x7e: {  	_ =	shalt  }
0x7f: {  	_ =	shalt  }
0x80: {  	_ =	shalt  }
0x81: {  	_ =	shalt  }
0x82: {  	_ =	shalt  }
0x83: {  	_ =	shalt  }
0x84: {  	_ =	shalt  }
0x85: {  	_ =	shalt  }
0x86: {  	_ =	shalt  }
0x87: {  	_ =	shalt  }
.Lfunc_end0:
.L_simem_size_0:
called_computation_lowered:
.L_overlay_start_0:
0x88: {  	s2 =	sld [smem:$0x3FD9]  }
0x89: {  	s3 =	sld [smem:$0x3FFE];
	_ =	sdelay $0x1  }
0x8a: {  	s1 =	srdreg.scid  }
0x8b: {  	s0 =	sand.u32 $0x1, s1  }
0x8c: {  	s17 =	sshll.u32 s0, $0xA;
	s2 =	sadd.s32 s3, s2  }
0x8d: {  	s2 =	sadd.s32 s2, s17  }
0x8e: {  	[smem:$0x3FC7] =	sst s2  }
0x8f: {  	_ = 	snop  }
0x90: {  	s2 =	sld [smem:$0x3FC9]  }
0x91: {  	s18 =	sld [smem:$0x3FD0];
	(tm) =	ssettm $0x1  }
0x92: {  	s4 =	sld [smem:$0x3FFB];
	_ =	sdelay $0x3  }
0x93: {  	_ =	strace s4  }
0x94: {  	s4 =	sld [smem:$0x3FFC];
	_ =	sdelay $0x3  }
0x95: {  	_ =	strace s4  }
0x96: {  	s4 =	sld [smem:$0x3FFD];
	_ =	sdelay $0x3  }
0x97: {  	_ =	strace s4  }
0x98: {  	_ =	strace $0x8FFFFFFF  }
0x99: {  	s19 =	sld [smem:$0x3FDB];
	_ =	sdelay $0x1  }
0x9a: {  	s5 =	simm.s32 $_scs_section_size  }
0x9b: {  	s6 =	simm.s32 $_size__tile_overlayer_lowered;
	s7 =	simm.s32 $_tile_overlayer_lowered  }
0x9c: {  	s22 =	simm.s32 $0x1BFF;
	s21 =	sshll.u32 s7, $0x1;
	s4 =	sadd.s32 s5, s19  }
0x9d: {  	s8 =	simm.s32 $0x0;
	s20 =	sshll.u32 s6, $0x1;
	s6 =	sadd.s32 s21, s4  }
0x9e: {  	[timem:s8], [sflag:s22] =	dma.local [hbm:s6], s20  }
0x9f: {  	_ =	swait.ge [sflag:s22], s20  }
0xa0: {  	s5 =	ssub.s32 $0x0, s20;
	[sflag:s22] =	ssyncset.done $0x0  }
0xa1: {  	[sflag:s22] =	ssyncadd.s32 s5;
	_ =	sdelay $0x1  }
0xa2: {  	s23 =	simm.s32 $0x1B8B  }
0xa3: {  	_ =	swait.ge [sflag:s23], $0x1  }
0xa4: {  	[sflag:s23] =	ssyncset.done $0x0  }
0xa5: {  	s25 =	simm.s32 $0x1B8E;
	s24 =	sld [smem:$0x3FFE];
	[sflag:s23] =	ssyncadd.s32 $0xFFFFFFFF  }
0xa6: {  	s26 =	simm.s32 $execute0_lowered;
	[smem:$0x3FD2] =	sst s25  }
0xa7: {  	s6 =	sshll.u32 s26, $0x1;
	_ =	strace $0x80000046;
	[dreg:$0x1] =	wrdreg $0xFFFFFFFF  }
0xa8: {  	s28 =	simm.s32 $_size_execute0_lowered;
	s4 =	sadd.s32 s4, s6;
	[dreg:$0x0] =	wrdreg $0x0  }
0xa9: {  	s6 =	sshll.u32 s28, $0x1;
	[dreg:$0x2] =	wrdreg s4  }
0xaa: {  	[dreg:$0x3] =	wrdreg s6  }
0xab: {  	[dreg:$0x4] =	wrdreg $0xC0  }
0xac: {  	_ =	task [dreg:s8], $0x5FFFF  }
0xad: {  	[dreg:$0x1] =	wrdreg $0xFFFFFFFF  }
0xae: {  	[dreg:$0x0] =	wrdreg $0x60  }
0xaf: {  	[dreg:$0x2] =	wrdreg s2  }
0xb0: {  	[dreg:$0x3] =	wrdreg s18  }
0xb1: {  	[dreg:$0x4] =	wrdreg s24  }
0xb2: {  	[dreg:$0x5] =	wrdreg $0x0  }
0xb3: {  	[dreg:$0x6] =	wrdreg $0x9  }
0xb4: {  	_ =	task.clear_ibuf [dreg:s8], $0x7FFFF;
	_ =	strace $0x90000046  }
0xb5: {  	s29 =	simm.s32 $0x9;
	_ =	strace $0x80000048  }
0xb6: {  	_ =	swait.ge [sflag:s29], $0x1  }
0xb7: {  	[sflag:s29] =	ssyncadd.s32 $0xFFFFFFFF  }
0xb8: {  	_ =	strace $0x90000048  }
0xb9: {  	_ =	sfence  }
0xba: {  	s30 =	sld [smem:$0x0];
	_ =	sdelay $0x2  }
0xbb: {  	s31 =	sshll.u32 s1, $0xD;
	s1 =	sshrl.u32 s1, $0x2  }
0xbc: {  	s3 =	sand.u32 $0x4000, s31;
	s1 =	sadd.s32 s1, s30  }
0xbd: {  	s0 =	sor.u32 s3, s0;
	s1 =	sshll.u32 s1, $0x11  }
0xbe: {  	s0 =	sor.u32 s1, s0  }
0xbf: {  	s0 =	sadd.s32 $0x8F2B, s0  }
0xc0: {  	[sflag:s0] =	ssyncadd.remote.s32 $0x1  }
0xc1: {  	_ =	sfence.sel $0xFFFF  }
0xc2: {  	[dreg:$0x0] =	wrdreg $0xFFFFFFFF;
	(pc) =	sbr.abs _section_cstart, $3  }
0xc3: {  	[dreg:$0x1] =	wrdreg $0xFFFFFFFF  }
0xc4: {  	_ =	task.clear_ibuf [dreg:s8], $0x2FFFF;
	_ =	strace $0x9FFFFFFF  }
0xc5: {  	(tm) =	ssettm $0x7FFFFFFF  }
tec
execute0_lowered:
.L_overlay_start_1:
0x0: {  	(tag) =	ssettag $0x1  }
0x1: {  	s8 =	rddreg [dreg:$0x0]  }
0x2: {  	s1 =	rddreg [dreg:$0x1]  }
0x3: {  	s6 =	rddreg [dreg:$0x2]  }
0x4: {  	s2 =	rddreg [dreg:$0x3]  }
0x5: {  	s0 =	rddreg [dreg:$0x4];
	s3 =	simm.s32 $0x0;
	s4 =	srdreg.scid  }
0x6: {  	s13 =	simm.s32 $0x134A8;
	s14 =	simm.s32 $0x2;
	s15 =	simm.s32 $0x13428  }
0x7: {  	s16 =	simm.s32 $0xF428;
	s17 =	simm.s32 $0x1;
	s18 =	simm.s32 $0x15A28  }
0x8: {  	s19 =	simm.s32 $0x17FA8;
	s20 =	simm.s32 $0x0;
	[smem:$0x7FF] =	sst s3  }
0x9: {  	s7 =	sand.u32 $0x1, s4;
	s5 =	sadd.s32 $0x400, s6;
	s4 =	stileid.u32  }
0xa: {  	s6 =	sadd.s32 $0x600, s6;
	_ =	strace $0x80000047;
	s9 =	ssub.s32 $0x2, s7  }
0xb: {  	v0 =	vimm.s32 $0x52741630;
	s11 =	sshll.u32 s4, $0x1;
	s29 =	sshll.u32 s4, $0xB;
	s30 =	ssub.s32 $0x78, s4  }
0xc: {  	v1 =	vunpack.c.l.s4.s8 v0;
	s10 =	sshrl.u32 s9, $0x1;
	s7 =	sor.u32 s11, s7;
	s8 =	sadd.s32 s8, s29  }
0xd: {  	v0 =	vlaneseq.u32;
	s12 =	ssub.s32 s9, s10;
	s31 =	ssub.s32 $0x88, s7;
	s9 =	sshrl.u32 s30, $0x4  }
0xe: {  	v0 =	vmul.u32 $0x3, v0;
	v1 =	vunpack.c.0.s8.s32 v1;
	s10 =	sshrl.u32 s31, $0x5;
	s11 =	smax.u32 s12, $0x1;
	s12 =	smul.u32 $0x2580, s4  }
.LBB2_1:
0xf: {  	[tilespmem:s13], [sflag:$0x2] =	stream.linear.gather [hbm4b:s1+s3], $0x2580, $0x38;
	[tilespmem:$0x1F028] =	vst v63  }
0x10: {  	_ =	swait.ge [sflag:s14], $0x2580  }
0x11: {  	[sflag:s14] =	ssyncset.done $0x0  }
0x12: {  	[sflag:s14] =	ssyncadd.s32 $0xFFFFDA80  }
0x13: {  	[tilespmem:s15], [sflag:$0x2] =	stream.linear.gather [hbm4b:s5+s3], $0x80, $0x38;
	[tilespmem:$0x1F028] =	vst v63  }
0x14: {  	_ =	swait.ge [sflag:s14], $0x80  }
0x15: {  	p0 =	sne.s32 s9, $0x1;
	[sflag:s14] =	ssyncset.done $0x0  }
.Ltmp0:
0x16: {  	[sflag:s14] =	ssyncadd.s32 $0xFFFFFF80;
	(pc) =	sbr.rel @!p0 .LBB2_3-.Ltmp0, $4  }
0x17: {  	[tilespmem:s16], [sflag:$0x2] =	stream.linear.gather [hbm4b:s8+s3], $0x4000, $0x38;
	[tilespmem:$0x1F028] =	vst v63  }
0x18: {  	p1 =	seq.s32 s12, $0xF3C00;
	s22 =	smov.u32 s12;
	_ =	swait.ge [sflag:s14], $0x4000  }
0x19: {  	s21 =	sadd.s32 $0xFFFFFFFF, s9;
	s22 =	simm.s32 @p1 $0xF1CC0;
	[sflag:s14] =	ssyncset.done $0x0  }
0x1a: {  	s23 =	sadd.s32 s22, s2;
	s22 =	sadd.s32 $0x25800, s12;
	[sflag:s14] =	ssyncadd.s32 $0xFFFFC000  }
.LBB2_2:
0x1b: {  	[spmem:s23] =	stream.linear.scatter [tilespmem:s13], [sflag:$0x1], $0x2580, $0x38;
	[tilespmem:$0x1F028] =	vst v63  }
0x1c: {  	p1 =	sne.s32 s21, $0x1  }
.Ltmp1:
0x1d: {  	s21 =	sadd.s32 $0xFFFFFFFF, s21;
	(pc) =	sbr.rel @p1 .LBB2_2-.Ltmp1, $4  }
0x1e: {  	_ = 	snop  }
0x1f: {  	p2 =	seq.s32 s22, $0xF3C00;
	s23 =	smov.u32 s22  }
0x20: {  	s23 =	simm.s32 @p2 $0xF1CC0  }
0x21: {  	s22 =	sadd.s32 $0x25800, s22;
	s23 =	sadd.s32 s23, s2  }
.LBB2_3:
.Ltmp2:
0x22: {  	(pc) =	sbr.rel @!p0 .LBB2_5-.Ltmp2, $4  }
0x23: {  	_ = 	snop  }
0x24: {  	[spmem:s23] =	stream.linear.scatter [tilespmem:s13], [sflag:$0x1], $0x2580, $0x38;
	[tilespmem:$0x1F028] =	vst v63  }
0x25: {  	_ =	swait.ge [sflag:s17], $0x2580  }
0x26: {  	s21 =	sadd.s32 $0xFFFFFFFF, s9;
	[sflag:s17] =	ssyncset.done $0x0  }
.LBB2_4:
0x27: {  	p0 =	sne.s32 s21, $0x1;
	s21 =	sadd.s32 $0xFFFFFFFF, s21;
	[sflag:s17] =	ssyncadd.s32 $0xFFFFDA80  }
.Ltmp3:
0x28: {  	(pc) =	sbr.rel @p0 .LBB2_4-.Ltmp3, $3  }
0x29: {  	_ =	sdelay $0x1  }
0x2a: {  	_ =	swait.ge [sflag:s17], $0x2580  }
0x2b: {  	[sflag:s17] =	ssyncset.done $0x0  }
.LBB2_5:
0x2c: {  	[sflag:s17] =	ssyncadd.s32 $0xFFFFDA80;
	s21 =	simm.s32 $0x200  }
0x2d: {  	s23 =	simm.s32 $0xF428;
	s22 =	simm.s32 $0x80;
	[bflag:$0x0] =	sbarrier.arrive $0xFFFF  }
.LBB2_6:
0x2e: {  	[spmem:s2] =	stream.indirect.scatter.add.f32 [tilespmem:s15], [sflag:$0x1], $0x1, s23, s22, $0xb8;
	[tilespmem:$0x1F028] =	vst v63  }
0x2f: {  	s23 =	smov.u32 s21;
	p0 =	sne.s32 s21, $0xFE00  }
.Ltmp4:
0x30: {  	s21 =	sadd.s32 $0x200, s21;
	(pc) =	sbr.rel @p0 .LBB2_6-.Ltmp4, $3  }
0x31: {  	_ =	sdelay $0x1  }
0x32: {  	s23 =	sshra.s32 s23, $0x2  }
0x33: {  	s23 =	sadd.s32 $0xF428, s23  }
0x34: {  	[spmem:s2] =	stream.indirect.scatter.add.f32 [tilespmem:s15], [sflag:$0x1], $0x1, s23, s22, $0xb8;
	[tilespmem:$0x1F028] =	vst v63  }
0x35: {  	_ =	swait.ge [sflag:s17], $0x80  }
0x36: {  	s21 =	simm.s32 $0x7F;
	[sflag:s17] =	ssyncset.done $0x0  }
.LBB2_8:
0x37: {  	p0 =	sne.s32 s21, $0x1;
	s21 =	sadd.s32 $0xFFFFFFFF, s21;
	[sflag:s17] =	ssyncadd.s32 $0xFFFFFF80  }
.Ltmp5:
0x38: {  	(pc) =	sbr.rel @p0 .LBB2_8-.Ltmp5, $3  }
0x39: {  	_ =	sdelay $0x1  }
0x3a: {  	_ =	swait.ge [sflag:s17], $0x80  }
0x3b: {  	[sflag:s17] =	ssyncset.done $0x0  }
0x3c: {  	[sflag:s17] =	ssyncadd.s32 $0xFFFFFF80  }
0x3d: {  	s21 =	simm.s32 $0x0;
	[bflag:$0x0] =	sbarrier.arrive $0xFFFF  }
.LBB2_10:
0x3e: {  	s22 =	sshll.u32 s21, $0x5  }
0x3f: {  	s23 =	sor.u32 s7, s22  }
0x40: {  	s22 =	smul.u32 $0x2580, s23  }
0x41: {  	p0 =	seq.s32 s23, $0x68  }
0x42: {  	s22 =	simm.s32 @p0 $0xF1CC0  }
0x43: {  	s26 =	sadd.s32 s22, s2  }
0x44: {  	[tilespmem:s18], [sflag:$0x2] =	stream.linear.gather [spmem:s26], $0x2580, $0x38;
	[tilespmem:$0x1F028] =	vst v63  }
0x45: {  	_ =	swait.ge [sflag:s14], $0x2580  }
0x46: {  	[sflag:s14] =	ssyncset.done $0x0  }
0x47: {  	s23 =	simm.s32 $0x15A68;
	[sflag:s14] =	ssyncadd.s32 $0xFFFFDA80  }
0x48: {  	s24 =	simm.s32 $0x0;
	v2 =	vld [tilespmem:s23+$0xFFFFFFC0]  }
0x49: {  	s28 =	simm.s32 $0x1;
	v3 =	vor.u32 s24, v0  }
0x4a: {  	s29 =	simm.s32 $0x2;
	v4 =	vadd.s32 s28, v0  }
0x4b: {  	v5 =	vadd.s32 s29, v0;
	_ =	sdelay $0x1  }
0x4c: {  	v2 =	vmin.f32 v2, $1.000000000e+00  }
0x4d: {  	[tilespmem:v3+s19+$0x0] =	vst.idx.msk $0xffff, v2  }
0x4e: {  	s30 =	simm.s32 $0x30;
	[tilespmem:v4+s19+$0x0] =	vst.idx.msk $0xffff, v2  }
0x4f: {  	[tilespmem:v5+s19+$0x0] =	vst.idx.msk $0xffff, v2;
	v2 =	vadd.s32 s30, v0  }
0x50: {  	v3 =	vld [tilespmem:s23+$0xFFFFFFD0];
	v2 =	vand.u32 $0x7FFFFFF8, v2  }
0x51: {  	s31 =	simm.s32 $0x31;
	v2 =	vor.u32 v1, v2  }
0x52: {  	s25 =	simm.s32 $0x32;
	v4 =	vadd.s32 s31, v0  }
0x53: {  	v5 =	vadd.s32 s25, v0;
	_ =	sdelay $0x1  }
0x54: {  	v3 =	vmin.f32 v3, $1.000000000e+00  }
0x55: {  	[tilespmem:v2+s19+$0x0] =	vst.idx.msk $0xffff, v3  }
0x56: {  	s26 =	simm.s32 $0x60;
	[tilespmem:v4+s19+$0x0] =	vst.idx.msk $0xffff, v3  }
0x57: {  	v2 =	vadd.s32 s26, v0;
	[tilespmem:v5+s19+$0x0] =	vst.idx.msk $0xffff, v3  }
0x58: {  	v2 =	vand.u32 $0x7FFFFFF8, v2;
	v3 =	vld [tilespmem:s23+$0xFFFFFFE0]  }
0x59: {  	s28 =	simm.s32 $0x61;
	v2 =	vor.u32 v1, v2  }
0x5a: {  	s29 =	simm.s32 $0x62;
	v4 =	vadd.s32 s28, v0  }
0x5b: {  	v5 =	vadd.s32 s29, v0;
	_ =	sdelay $0x1  }
0x5c: {  	v3 =	vmin.f32 v3, $1.000000000e+00  }
0x5d: {  	[tilespmem:v2+s19+$0x0] =	vst.idx.msk $0xffff, v3  }
0x5e: {  	s30 =	simm.s32 $0x90;
	[tilespmem:v4+s19+$0x0] =	vst.idx.msk $0xffff, v3  }
0x5f: {  	v2 =	vadd.s32 s30, v0;
	[tilespmem:v5+s19+$0x0] =	vst.idx.msk $0xffff, v3  }
0x60: {  	v2 =	vand.u32 $0x7FFFFFF8, v2;
	v3 =	vld [tilespmem:s23+$0xFFFFFFF0]  }
0x61: {  	s31 =	simm.s32 $0x91;
	v2 =	vor.u32 v1, v2  }
0x62: {  	s25 =	simm.s32 $0x92;
	v4 =	vadd.s32 s31, v0  }
0x63: {  	v5 =	vadd.s32 s25, v0;
	_ =	sdelay $0x1  }
0x64: {  	v3 =	vmin.f32 v3, $1.000000000e+00  }
0x65: {  	[tilespmem:v2+s19+$0x0] =	vst.idx.msk $0xffff, v3  }
0x66: {  	[tilespmem:v4+s19+$0x0] =	vst.idx.msk $0xffff, v3  }
0x67: {  	[tilespmem:v5+s19+$0x0] =	vst.idx.msk $0xffff, v3  }
0x68: {  	s26 =	simm.s32 $0xC0;
	v2 =	vld [tilespmem:s23+$0x0]  }
0x69: {  	s28 =	simm.s32 $0xC1;
	v3 =	vor.u32 s26, v0  }
0x6a: {  	s29 =	simm.s32 $0xC2;
	v4 =	vadd.s32 s28, v0  }
0x6b: {  	v5 =	vadd.s32 s29, v0;
	_ =	sdelay $0x1  }
0x6c: {  	v2 =	vmin.f32 v2, $1.000000000e+00  }
0x6d: {  	[tilespmem:v3+s19+$0x0] =	vst.idx.msk $0xffff, v2  }
0x6e: {  	s30 =	simm.s32 $0xF0;
	[tilespmem:v4+s19+$0x0] =	vst.idx.msk $0xffff, v2  }
0x6f: {  	[tilespmem:v5+s19+$0x0] =	vst.idx.msk $0xffff, v2;
	v2 =	vadd.s32 s30, v0  }
0x70: {  	v3 =	vld [tilespmem:s23+$0x10];
	v2 =	vand.u32 $0x7FFFFFF8, v2  }
0x71: {  	s31 =	simm.s32 $0xF1;
	v2 =	vor.u32 v1, v2  }
0x72: {  	s25 =	simm.s32 $0xF2;
	v4 =	vadd.s32 s31, v0  }
0x73: {  	v5 =	vadd.s32 s25, v0;
	_ =	sdelay $0x1  }
0x74: {  	v3 =	vmin.f32 v3, $1.000000000e+00  }
0x75: {  	[tilespmem:v2+s19+$0x0] =	vst.idx.msk $0xffff, v3  }
0x76: {  	s26 =	simm.s32 $0x120;
	[tilespmem:v4+s19+$0x0] =	vst.idx.msk $0xffff, v3  }
0x77: {  	v2 =	vadd.s32 s26, v0;
	[tilespmem:v5+s19+$0x0] =	vst.idx.msk $0xffff, v3  }
0x78: {  	v2 =	vand.u32 $0x7FFFFFF8, v2;
	v3 =	vld [tilespmem:s23+$0x20]  }
0x79: {  	s28 =	simm.s32 $0x121;
	v2 =	vor.u32 v1, v2  }
0x7a: {  	s29 =	simm.s32 $0x122;
	v4 =	vadd.s32 s28, v0  }
0x7b: {  	v5 =	vadd.s32 s29, v0;
	_ =	sdelay $0x1  }
0x7c: {  	v3 =	vmin.f32 v3, $1.000000000e+00  }
0x7d: {  	[tilespmem:v2+s19+$0x0] =	vst.idx.msk $0xffff, v3  }
0x7e: {  	[tilespmem:v4+s19+$0x0] =	vst.idx.msk $0xffff, v3  }
0x7f: {  	s30 =	simm.s32 $0x150;
	[tilespmem:v5+s19+$0x0] =	vst.idx.msk $0xffff, v3  }
0x80: {  	v2 =	vadd.s32 s30, v0;
	v3 =	vld [tilespmem:s23+$0x30]  }
0x81: {  	v2 =	vand.u32 $0x7FFFFFF8, v2  }
0x82: {  	s31 =	simm.s32 $0x151;
	v4 =	vor.u32 v1, v2  }
0x83: {  	v5 =	vadd.s32 s31, v0  }
0x84: {  	s25 =	simm.s32 $0x152  }
0x85: {  	v2 =	vmin.f32 v3, $1.000000000e+00;
	v3 =	vadd.s32 s25, v0;
	_ =	sdelay $0x1  }
0x86: {  	[tilespmem:v4+s19+$0x0] =	vst.idx.msk $0xffff, v2  }
0x87: {  	s24 =	simm.s32 $0x2D2;
	[tilespmem:v5+s19+$0x0] =	vst.idx.msk $0xffff, v2  }
.LBB2_11:
0x88: {  	p0 =	sne.s32 s24, $0x7052  }
0x89: {  	[tilespmem:v3+s19+$0x0] =	vst.idx.msk $0xffff, v2;
	s23 =	sadd.s32 $0x80, s23;
	s25 =	smov.u32 s24;
	s24 =	sadd.s32 $0x180, s24  }
0x8a: {  	v2 =	vld [tilespmem:s23+$0xFFFFFFC0];
	s26 =	sadd.s32 $0xFFFFFEAE, s25  }
0x8b: {  	v3 =	vor.u32 s26, v0;
	s26 =	sadd.s32 $0xFFFFFEAF, s25  }
0x8c: {  	v4 =	vadd.s32 s26, v0;
	s26 =	sadd.s32 $0xFFFFFEB0, s25  }
0x8d: {  	v5 =	vadd.s32 s26, v0;
	_ =	sdelay $0x1  }
0x8e: {  	v2 =	vmin.f32 v2, $1.000000000e+00  }
0x8f: {  	[tilespmem:v3+s19+$0x0] =	vst.idx.msk $0xffff, v2  }
0x90: {  	s26 =	sadd.s32 $0xFFFFFEDE, s25;
	[tilespmem:v4+s19+$0x0] =	vst.idx.msk $0xffff, v2  }
0x91: {  	[tilespmem:v5+s19+$0x0] =	vst.idx.msk $0xffff, v2;
	v2 =	vadd.s32 s26, v0  }
0x92: {  	v3 =	vld [tilespmem:s23+$0xFFFFFFD0];
	v2 =	vand.u32 $0x7FFFFFF8, v2  }
0x93: {  	s26 =	sadd.s32 $0xFFFFFEDF, s25;
	v2 =	vor.u32 v1, v2  }
0x94: {  	v4 =	vadd.s32 s26, v0;
	s26 =	sadd.s32 $0xFFFFFEE0, s25  }
0x95: {  	v5 =	vadd.s32 s26, v0;
	_ =	sdelay $0x1  }
0x96: {  	v3 =	vmin.f32 v3, $1.000000000e+00  }
0x97: {  	[tilespmem:v2+s19+$0x0] =	vst.idx.msk $0xffff, v3  }
0x98: {  	s26 =	sadd.s32 $0xFFFFFF0E, s25;
	[tilespmem:v4+s19+$0x0] =	vst.idx.msk $0xffff, v3  }
0x99: {  	v2 =	vadd.s32 s26, v0;
	[tilespmem:v5+s19+$0x0] =	vst.idx.msk $0xffff, v3  }
0x9a: {  	v2 =	vand.u32 $0x7FFFFFF8, v2;
	v3 =	vld [tilespmem:s23+$0xFFFFFFE0]  }
0x9b: {  	s26 =	sadd.s32 $0xFFFFFF0F, s25;
	v2 =	vor.u32 v1, v2  }
0x9c: {  	v4 =	vadd.s32 s26, v0;
	s26 =	sadd.s32 $0xFFFFFF10, s25  }
0x9d: {  	v5 =	vadd.s32 s26, v0;
	_ =	sdelay $0x1  }
0x9e: {  	v3 =	vmin.f32 v3, $1.000000000e+00  }
0x9f: {  	[tilespmem:v2+s19+$0x0] =	vst.idx.msk $0xffff, v3  }
0xa0: {  	s26 =	sadd.s32 $0xFFFFFF3E, s25;
	[tilespmem:v4+s19+$0x0] =	vst.idx.msk $0xffff, v3  }
0xa1: {  	v2 =	vadd.s32 s26, v0;
	[tilespmem:v5+s19+$0x0] =	vst.idx.msk $0xffff, v3  }
0xa2: {  	v2 =	vand.u32 $0x7FFFFFF8, v2;
	v3 =	vld [tilespmem:s23+$0xFFFFFFF0]  }
0xa3: {  	s26 =	sadd.s32 $0xFFFFFF3F, s25;
	v2 =	vor.u32 v1, v2  }
0xa4: {  	v4 =	vadd.s32 s26, v0;
	s26 =	sadd.s32 $0xFFFFFF40, s25  }
0xa5: {  	v5 =	vadd.s32 s26, v0;
	_ =	sdelay $0x1  }
0xa6: {  	v3 =	vmin.f32 v3, $1.000000000e+00  }
0xa7: {  	[tilespmem:v2+s19+$0x0] =	vst.idx.msk $0xffff, v3  }
0xa8: {  	[tilespmem:v4+s19+$0x0] =	vst.idx.msk $0xffff, v3  }
0xa9: {  	[tilespmem:v5+s19+$0x0] =	vst.idx.msk $0xffff, v3  }
0xaa: {  	s26 =	sadd.s32 $0xFFFFFF6E, s25;
	v2 =	vld [tilespmem:s23+$0x0]  }
0xab: {  	v3 =	vor.u32 s26, v0;
	s26 =	sadd.s32 $0xFFFFFF6F, s25  }
0xac: {  	v4 =	vadd.s32 s26, v0;
	s26 =	sadd.s32 $0xFFFFFF70, s25  }
0xad: {  	v5 =	vadd.s32 s26, v0;
	_ =	sdelay $0x1  }
0xae: {  	v2 =	vmin.f32 v2, $1.000000000e+00  }
0xaf: {  	[tilespmem:v3+s19+$0x0] =	vst.idx.msk $0xffff, v2  }
0xb0: {  	s26 =	sadd.s32 $0xFFFFFF9E, s25;
	[tilespmem:v4+s19+$0x0] =	vst.idx.msk $0xffff, v2  }
0xb1: {  	[tilespmem:v5+s19+$0x0] =	vst.idx.msk $0xffff, v2;
	v2 =	vadd.s32 s26, v0  }
0xb2: {  	v3 =	vld [tilespmem:s23+$0x10];
	v2 =	vand.u32 $0x7FFFFFF8, v2  }
0xb3: {  	s26 =	sadd.s32 $0xFFFFFF9F, s25;
	v2 =	vor.u32 v1, v2  }
0xb4: {  	v4 =	vadd.s32 s26, v0;
	s26 =	sadd.s32 $0xFFFFFFA0, s25  }
0xb5: {  	v5 =	vadd.s32 s26, v0;
	_ =	sdelay $0x1  }
0xb6: {  	v3 =	vmin.f32 v3, $1.000000000e+00  }
0xb7: {  	[tilespmem:v2+s19+$0x0] =	vst.idx.msk $0xffff, v3  }
0xb8: {  	s26 =	sadd.s32 $0xFFFFFFCE, s25;
	[tilespmem:v4+s19+$0x0] =	vst.idx.msk $0xffff, v3  }
0xb9: {  	v2 =	vadd.s32 s26, v0;
	[tilespmem:v5+s19+$0x0] =	vst.idx.msk $0xffff, v3  }
0xba: {  	v2 =	vand.u32 $0x7FFFFFF8, v2;
	v3 =	vld [tilespmem:s23+$0x20]  }
0xbb: {  	s26 =	sadd.s32 $0xFFFFFFCF, s25;
	v2 =	vor.u32 v1, v2  }
0xbc: {  	v4 =	vadd.s32 s26, v0;
	s26 =	sadd.s32 $0xFFFFFFD0, s25  }
0xbd: {  	v5 =	vadd.s32 s26, v0;
	_ =	sdelay $0x1  }
0xbe: {  	v3 =	vmin.f32 v3, $1.000000000e+00  }
0xbf: {  	[tilespmem:v2+s19+$0x0] =	vst.idx.msk $0xffff, v3  }
0xc0: {  	s26 =	sadd.s32 $0xFFFFFFFE, s25;
	[tilespmem:v4+s19+$0x0] =	vst.idx.msk $0xffff, v3  }
0xc1: {  	v2 =	vadd.s32 s26, v0;
	[tilespmem:v5+s19+$0x0] =	vst.idx.msk $0xffff, v3  }
0xc2: {  	v2 =	vand.u32 $0x7FFFFFF8, v2;
	v4 =	vld [tilespmem:s23+$0x30]  }
0xc3: {  	s26 =	sadd.s32 $0xFFFFFFFF, s25;
	v5 =	vor.u32 v1, v2  }
0xc4: {  	v6 =	vadd.s32 s26, v0  }
.Ltmp6:
0xc5: {  	v3 =	vadd.s32 s25, v0;
	(pc) =	sbr.rel @p0 .LBB2_11-.Ltmp6, $4  }
0xc6: {  	_ = 	snop  }
0xc7: {  	v2 =	vmin.f32 v4, $1.000000000e+00  }
0xc8: {  	[tilespmem:v5+s19+$0x0] =	vst.idx.msk $0xffff, v2  }
0xc9: {  	[tilespmem:v6+s19+$0x0] =	vst.idx.msk $0xffff, v2  }
0xca: {  	_ = 	snop  }
0xcb: {  	s22 =	smul.u32 $0x3, s22  }
0xcc: {  	s21 =	sadd.s32 $0x1, s21  }
0xcd: {  	p0 =	sne.s32 s21, s10;
	s22 =	sshrl.u32 s22, $0x3  }
.Ltmp7:
0xce: {  	[tilespmem:v3+s19+$0x0] =	vst.idx.msk $0xffff, v2;
	s22 =	sadd.s32 s6, s22;
	(pc) =	sbr.rel @p0 .LBB2_10-.Ltmp7, $4  }
0xcf: {  	[hbm4b:s22+s3] =	stream.linear.scatter [tilespmem:s19], [sflag:$0x2], $0x7080, $0x38;
	[tilespmem:$0x1F028] =	vst v63  }
0xd0: {  	_ =	swait.ge [sflag:s14], $0x7080  }
0xd1: {  	[sflag:s14] =	ssyncset.done $0x0  }
0xd2: {  	[sflag:s14] =	ssyncadd.s32 $0xFFFF8F80  }
0xd3: {  	s20 =	sadd.s32 $0x1, s20  }
0xd4: {  	p0 =	sne.s32 s20, s11  }
.Ltmp8:
0xd5: {  	_ = 	snop;
	(pc) =	sbr.rel @p0 .LBB2_1-.Ltmp8, $1  }
0xd6: {  	_ =	sdelay $0x3  }
0xd7: {  	_ =	sfence.sel $0x180000  }
0xd8: {  	[bflag:$0x0] =	sbarrier.arrive $0xFFFF  }
0xd9: {  	p0 =	sne.s32 s4, $0x0;
	_ =	strace $0x90000047  }
0xda: {  	s0 =	sadd.s32 @!p0 $0x100000, s0;
	[bflag:$0x2] =	sbarrier.arrive $0xFFFF  }
0xdb: {  	[sflag:s0] =	ssyncadd.tile.s32 @!p0 $0x1;
	_ =	shalt  }
.Lfunc_end2:
_tile_overlayer_lowered:
.L_overlay_start_2:
0xdc: {  	(tag) =	ssettag $0x2  }
0xdd: {  	s0 =	rddreg [dreg:$0x0];
	s2 =	stileid.u32  }
0xde: {  	s1 =	rddreg [dreg:$0x1];
	p0 =	sne.s32 s2, $0x0  }
0xdf: {  	s3 =	rddreg [dreg:$0x2];
	[bflag:$0x3] =	sbarrier.arrive $0xFFFF;
	s2 =	simm.s32 @!p0 $0x1C02  }
0xe0: {  	[timem:s3], [sflag:s2] =	dma.local @!p0 [hbm:s0], s1  }
0xe1: {  	s0 =	simm.s32 @!p0 $0x2  }
0xe2: {  	_ =	swait.ge @!p0 [sflag:s0], s1  }
0xe3: {  	s1 =	ssub.s32 @!p0 $0x0, s1;
	[sflag:s0] =	ssyncset.done @!p0 $0x0  }
0xe4: {  	[sflag:s0] =	ssyncadd.s32 @!p0 s1  }
0xe5: {  	[bflag:$0x3] =	sbarrier.arrive $0xFFFF  }
0xe6: {  	_ =	shalt  }

</sc_bundles>
